<compile_context>
chip_gen: v7x
topology: tpu7x:2x2x1
jax: 0.10.2.dev20260603
libtpu: 0.0.44.dev20260713+nightly
codegen_flags: <defaults>
</compile_context>

<pallas_src>
import functools

import jax
import jax.numpy as jnp
from jax import lax
from jax.experimental import pallas as pl
from jax.experimental.pallas import tpu as pltpu
from jax.experimental.pallas import tpu_sc as plsc

B, C_IN, H, W = 2, 128, 256, 256
C_OUT = 32
D, GH, GW = 64, 64, 64
NPIX = H * W
NVOX = D * GH * GW
NTOT = B * NVOX


_HB = 16


def _conv_body(x_ref, w_ref, b_ref, out_ref):
    x = x_ref[0]
    x2 = x.reshape(C_IN, _HB * W)
    acc = lax.dot_general(x2, w_ref[...],
                          (((0,), (1,)), ((), ())),
                          preferred_element_type=jnp.float32)
    out_ref[...] = acc + b_ref[...]


def _conv_call(grid2d, conv_w, conv_b):
    grid = (B, H // _HB)
    return pl.pallas_call(
        _conv_body,
        grid=grid,
        in_specs=[
            pl.BlockSpec((1, C_IN, _HB, W), lambda b, h: (b, 0, h, 0)),
            pl.BlockSpec((C_OUT, C_IN), lambda b, h: (0, 0)),
            pl.BlockSpec((1, C_OUT), lambda b, h: (0, 0)),
        ],
        out_specs=pl.BlockSpec((_HB * W, C_OUT),
                               lambda b, h: (b * (H // _HB) + h, 0)),
        out_shape=jax.ShapeDtypeStruct((B * NPIX, C_OUT), jnp.float32),
    )(grid2d, conv_w, conv_b.reshape(1, C_OUT))



_IR, _IC = NVOX // 128, 128


def _index_body(p_ref, l_ref, gidx_ref, mask_ref):
    b = pl.program_id(0)

    def rb(v):
        return v.astype(jnp.bfloat16).astype(jnp.float32)

    def project(n):
        zf = lax.shift_right_logical(n, 12).astype(jnp.float32)
        yf = jnp.bitwise_and(lax.shift_right_logical(n, 6), 63).astype(
            jnp.float32)
        xf = jnp.bitwise_and(n, 63).astype(jnp.float32)
        x = rb(xf + l_ref[b, 0])
        y = rb(yf + l_ref[b, 1])
        z = rb(zf + l_ref[b, 2])

        def proj(j):
            return (rb(p_ref[b, j, 0]) * x + rb(p_ref[b, j, 1]) * y
                    + rb(p_ref[b, j, 2]) * z + rb(p_ref[b, j, 3]))

        p0, p1, p2, p3 = proj(0), proj(1), proj(2), proj(3)
        fx = ((p0 / p3) / 2.0 + 0.5) * jnp.float32(W)
        fy = ((p1 / p3) / 2.0 + 0.5) * jnp.float32(H)
        px = fx.astype(jnp.int32)
        py = fy.astype(jnp.int32)
        valid = ((p2 >= 0.0) & (px >= 0) & (px < W) & (py >= 0) & (py < H))
        gidx = jnp.where(valid,
                         py * W + px,
                         jnp.bitwise_and(n, NPIX - 1)) + b * NPIX
        return gidx, valid

    r = lax.broadcasted_iota(jnp.int32, (_IR, _IC), 0)
    c = lax.broadcasted_iota(jnp.int32, (_IR, _IC), 1)
    p = r * _IC + c
    qv = _CHT // 4
    v = (jnp.bitwise_and(p, ~(_CHT - 1)) + jnp.bitwise_and(p, 3) * qv
         + jnp.bitwise_and(lax.shift_right_logical(p, 2), qv - 1))
    gidx_ref[0] = project(v)[0]
    mask_ref[0] = project(p)[1].astype(jnp.float32)


def _index_call(vpm, vsl):
    return pl.pallas_call(
        _index_body,
        grid=(B,),
        in_specs=[
            pl.BlockSpec((B, 4, 4), lambda b: (0, 0, 0),
                         memory_space=pltpu.SMEM),
            pl.BlockSpec((B, 3), lambda b: (0, 0),
                         memory_space=pltpu.SMEM),
        ],
        out_specs=[
            pl.BlockSpec((1, _IR, _IC), lambda b: (b, 0, 0)),
            pl.BlockSpec((1, _IR, _IC), lambda b: (b, 0, 0)),
        ],
        out_shape=[
            jax.ShapeDtypeStruct((B, _IR, _IC), jnp.int32),
            jax.ShapeDtypeStruct((B, _IR, _IC), jnp.float32),
        ],
    )(vpm, vsl)



_NC, _NS = 2, 16
_NW = _NC * _NS
_RPW = NTOT // _NW
_CH = 1024
_NCHUNK = _RPW // _CH


_NBUF = 3


def _gather_body(table_hbm, idx_hbm, out_hbm, idx_v,
                 rows0, rows1, rows2, gsem0, gsem1, gsem2,
                 osem0, osem1, osem2):
    wid = lax.axis_index("s") * _NC + lax.axis_index("c")
    base = wid * _RPW
    pltpu.sync_copy(idx_hbm.at[pl.ds(base, _RPW)], idx_v)
    rows = (rows0, rows1, rows2)
    gsem = (gsem0, gsem1, gsem2)
    osem = (osem0, osem1, osem2)

    def gather(i):
        return pltpu.async_copy(
            table_hbm.at[idx_v.at[pl.ds(i * _CH, _CH)]],
            rows[i % _NBUF], gsem[i % _NBUF])

    gops = [None] * _NCHUNK
    oops = [None] * _NCHUNK
    for k in range(_NBUF):
        gops[k] = gather(k)
    for i in range(_NCHUNK):
        gops[i].wait()
        oops[i] = pltpu.async_copy(
            rows[i % _NBUF], out_hbm.at[pl.ds(base + i * _CH, _CH)],
            osem[i % _NBUF])
        if i + _NBUF < _NCHUNK:
            oops[i].wait()
            gops[i + _NBUF] = gather(i + _NBUF)
    for i in range(_NCHUNK - _NBUF, _NCHUNK):
        oops[i].wait()


def _gather_call(table, gidx_flat):
    mesh = plsc.VectorSubcoreMesh(core_axis_name="c", subcore_axis_name="s")
    f = pl.kernel(
        _gather_body,
        out_type=jax.ShapeDtypeStruct((NTOT, C_OUT), jnp.float32),
        mesh=mesh,
        scratch_types=[
            pltpu.VMEM((_RPW,), jnp.int32),
            pltpu.VMEM((_CH, C_OUT), jnp.float32),
            pltpu.VMEM((_CH, C_OUT), jnp.float32),
            pltpu.VMEM((_CH, C_OUT), jnp.float32),
            pltpu.SemaphoreType.DMA,
            pltpu.SemaphoreType.DMA,
            pltpu.SemaphoreType.DMA,
            pltpu.SemaphoreType.DMA,
            pltpu.SemaphoreType.DMA,
            pltpu.SemaphoreType.DMA,
        ],
        compiler_params=pltpu.CompilerParams(use_tc_tiling_on_sc=False),
    )
    return f(table, gidx_flat)



_CHT = 16384
_NT = NTOT // _CHT


_ZB = _CHT // (GH * GW)


def _trans_body(g_ref, m_ref, out_ref):
    g = g_ref[...]
    cat = jnp.concatenate(
        [g[:, 32 * q:32 * (q + 1)] for q in range(4)], axis=0)
    t = cat.T * m_ref[0, 0][None, :]
    out_ref[...] = t.reshape(1, C_OUT, _ZB, GH, GW)


def _trans_call(gathered128, mask2d):
    cpb = NVOX // _CHT
    return pl.pallas_call(
        _trans_body,
        grid=(_NT,),
        in_specs=[
            pl.BlockSpec((_CHT // 4, 4 * C_OUT), lambda t: (t, 0)),
            pl.BlockSpec((1, 1, _CHT), lambda t: (t, 0, 0)),
        ],
        out_specs=pl.BlockSpec((1, C_OUT, _ZB, GH, GW),
                               lambda t: (t // cpb, 0, t % cpb, 0, 0)),
        out_shape=jax.ShapeDtypeStruct((B, C_OUT, D, GH, GW), jnp.float32),
    )(gathered128, mask2d)




def kernel(grid2d, voxel_projection_matrix, voxel_sample_location,
           conv_w, conv_b):
    table = _conv_call(grid2d, conv_w, conv_b)
    gidx, mask = _index_call(voxel_projection_matrix, voxel_sample_location)
    gathered = _gather_call(table, gidx.reshape(NTOT))
    return _trans_call(gathered.reshape(NTOT // 4, 4 * C_OUT),
                       mask.reshape(_NT, 1, _CHT))

# --- scband reference (transcript-rebuilt; emitter-appended) ---
"""Pipeline reference for scband-sample-grid2d-51445118272126 (READ-ONLY COPY).

The authoritative reference and input builder live on the scoring server;
editing this copy changes nothing except your own understanding.
"""

import jax, jax.numpy as jnp
import numpy as np

D, GH, GW = 64, 64, 64
B, C_IN, H, W_IMG = 2, 128, 256, 256
C_OUT = 32


def setup_inputs(seed: int = 0) -> dict:
    key = jax.random.key(seed)
    ks = jax.random.split(key, 5)
    grid2d = jax.random.normal(ks[0], (B, C_IN, H, W_IMG), dtype=jnp.float32)
    voxel_projection_matrix = jax.random.uniform(ks[1], (B, 4, 4), dtype=jnp.float32)
    voxel_sample_location = jax.random.uniform(ks[2], (B, 3), dtype=jnp.float32)
    conv_w = jax.random.normal(ks[3], (C_OUT, C_IN), dtype=jnp.float32) * 0.05
    conv_b = jax.random.normal(ks[4], (C_OUT,), dtype=jnp.float32) * 0.05
    return {
        "grid2d": grid2d,
        "voxel_projection_matrix": voxel_projection_matrix,
        "voxel_sample_location": voxel_sample_location,
        "conv_w": conv_w,
        "conv_b": conv_b,
    }


def reference(grid2d, voxel_projection_matrix, voxel_sample_location, conv_w, conv_b):
    outside_value = 0.0
    batch_size = grid2d.shape[0]
    # 1x1 conv to compress channels
    compressed = jnp.einsum('bchw,oc->bohw', grid2d, conv_w) + conv_b[None, :, None, None]
    _, channels, height, width = compressed.shape
    # voxel centers (torch.meshgrid default = 'ij' indexing)
    zz, yy, xx = jnp.meshgrid(
        jnp.arange(D, dtype=jnp.float32),
        jnp.arange(GH, dtype=jnp.float32),
        jnp.arange(GW, dtype=jnp.float32),
        indexing='ij')
    voxel_centers = jnp.stack([xx, yy, zz], axis=-1)  # [D, GH, GW, 3]
    vc = voxel_centers[None] + voxel_sample_location[:, None, None, None, :]
    vc = vc.reshape(batch_size, -1, 3)
    # homogeneous transform: append w=1, multiply by projection matrix
    ones = jnp.ones(vc.shape[:-1] + (1,), dtype=jnp.float32)
    pts = jnp.concatenate([vc, ones], axis=-1)  # [B, N, 4]
    projected = jnp.einsum('bnk,bjk->bnj', pts, voxel_projection_matrix)
    projected = projected.reshape(batch_size, D, GH, GW, 4)
    camera_depth = projected[..., 2]
    pc = projected[..., :3] / projected[..., 3:4]
    pc = pc[..., :2] / 2 + 0.5
    wh = jnp.array([width, height], dtype=jnp.float32)
    pixel_indices = (pc * wh).astype(jnp.int32)
    xx_i = pixel_indices[..., 0]
    yy_i = pixel_indices[..., 1]
    padded = jnp.pad(compressed, ((0, 0), (0, 0), (1, 1), (1, 1)), constant_values=outside_value)
    xx_i = jnp.clip(xx_i + 1, 0, padded.shape[-1] - 1)
    yy_i = jnp.clip(yy_i + 1, 0, padded.shape[-2] - 1)
    bb = jnp.arange(batch_size, dtype=jnp.int32)[:, None, None, None]
    bb = jnp.broadcast_to(bb, (batch_size, D, GH, GW))
    # advanced indexing with slice in the middle -> [B, D, GH, GW, C]
    result = padded[bb, :, yy_i, xx_i]
    result = jnp.transpose(result, (0, 4, 1, 2, 3))  # [B, C, D, GH, GW]
    cd = jnp.broadcast_to(camera_depth[:, None, :, :, :], result.shape)
    result = jnp.where(cd >= 0, result, jnp.full_like(result, outside_value))
    return result

if __name__ == "__main__":
    import jax
    _d = setup_inputs()
    print(jax.jit(kernel)(*tuple(_d.values())))

</pallas_src>

<mosaic_0001>
#map = affine_map<(d0, d1) -> (0, 0)>
#map1 = affine_map<(d0, d1) -> (0)>
module attributes {stable_mosaic.version = 14 : i64} {
  func.func @_gather_body(%arg0: i32, %arg1: i32, %arg2: memref<131072x32xf32, #tpu.memory_space<hbm>>, %arg3: memref<524288xi32, #tpu.memory_space<hbm>>, %arg4: memref<524288x32xf32, #tpu.memory_space<hbm>>, %arg5: memref<16384xi32, #tpu.memory_space<vmem>>, %arg6: memref<1024x32xf32, #tpu.memory_space<vmem>>, %arg7: memref<1024x32xf32, #tpu.memory_space<vmem>>, %arg8: memref<1024x32xf32, #tpu.memory_space<vmem>>, %arg9: memref<!tpu.dma_semaphore, #tpu.memory_space<semaphore_mem>>, %arg10: memref<!tpu.dma_semaphore, #tpu.memory_space<semaphore_mem>>, %arg11: memref<!tpu.dma_semaphore, #tpu.memory_space<semaphore_mem>>, %arg12: memref<!tpu.dma_semaphore, #tpu.memory_space<semaphore_mem>>, %arg13: memref<!tpu.dma_semaphore, #tpu.memory_space<semaphore_mem>>, %arg14: memref<!tpu.dma_semaphore, #tpu.memory_space<semaphore_mem>>) attributes {dimension_semantics = [#tpu.dimension_semantics<core_parallel>, #tpu.dimension_semantics<subcore_parallel>], iteration_bounds = array<i64: 2, 16>, scalar_prefetch = 0 : i64, scratch_operands = 10 : i64, tpu.core_type = #tpu.core_type<sc_vector_subcore>, window_params = [{transform_indices = #map}, {transform_indices = #map1}, {transform_indices = #map}]} {
    %mul3A = arith.constant 2 : i32
    %mul3A_0 = arith.muli %arg1, %mul3A : i32
    %add3A = arith.addi %mul3A_0, %arg0 : i32
    %mul3A_1 = arith.constant 16384 : i32
    %mul3A_2 = arith.muli %add3A, %mul3A_1 : i32
    "tpu.region"() ({
      %run_scoped3A = tpu.sem_alloc : memref<!tpu.dma_semaphore, #tpu.memory_space<semaphore_mem>>
      %dma_start3A_321 = tpu.memref_slice %arg3[%mul3A_2] : memref<524288xi32, #tpu.memory_space<hbm>> -> memref<16384xi32, #tpu.memory_space<hbm>>
      %dma_start3A_322 = tpu.memref_slice %arg3[%mul3A_2] : memref<524288xi32, #tpu.memory_space<hbm>> -> memref<16384xi32, #tpu.memory_space<hbm>>
      tpu.enqueue_dma source(%dma_start3A_322 : memref<16384xi32, #tpu.memory_space<hbm>>) target(%arg5 : memref<16384xi32, #tpu.memory_space<vmem>>) target_semaphore(%run_scoped3A : memref<!tpu.dma_semaphore, #tpu.memory_space<semaphore_mem>>)
      %dma_wait3A_323 = tpu.memref_slice %arg3[%mul3A_2] : memref<524288xi32, #tpu.memory_space<hbm>> -> memref<16384xi32, #tpu.memory_space<hbm>>
      %dma_wait3A_324 = tpu.memref_slice %arg3[%mul3A_2] : memref<524288xi32, #tpu.memory_space<hbm>> -> memref<16384xi32, #tpu.memory_space<hbm>>
      tpu.wait_dma2 semaphore(%run_scoped3A : memref<!tpu.dma_semaphore, #tpu.memory_space<semaphore_mem>>) src(%dma_wait3A_324 : memref<16384xi32, #tpu.memory_space<hbm>>) dst(%arg5 : memref<16384xi32, #tpu.memory_space<vmem>>)
      tpu.yield
    }) : () -> ()
    %dma_start3A = arith.constant 0 : i32
    %dma_start3A_3 = tpu.memref_slice %arg5[%dma_start3A] : memref<16384xi32, #tpu.memory_space<vmem>> -> memref<1024xi32, #tpu.memory_space<vmem>>
    %dma_start3A_4 = arith.constant 0 : i32
    %dma_start3A_5 = arith.constant 0 : i32
    %dma_start3A_6 = tpu.memref_slice %arg2[%dma_start3A_4, %dma_start3A_5] : memref<131072x32xf32, #tpu.memory_space<hbm>> -> memref<131072x32xf32, #tpu.memory_space<hbm>>
    tpu.enqueue_indirect_dma source(%dma_start3A_6 : memref<131072x32xf32, #tpu.memory_space<hbm>>) target(%arg6 : memref<1024x32xf32, #tpu.memory_space<vmem>>) offsets(%dma_start3A_3 : memref<1024xi32, #tpu.memory_space<vmem>>) semaphore(%arg9 : memref<!tpu.dma_semaphore, #tpu.memory_space<semaphore_mem>>)
    %dma_start3A_7 = arith.constant 1024 : i32
    %dma_start3A_8 = tpu.memref_slice %arg5[%dma_start3A_7] : memref<16384xi32, #tpu.memory_space<vmem>> -> memref<1024xi32, #tpu.memory_space<vmem>>
    %dma_start3A_9 = arith.constant 0 : i32
    %dma_start3A_10 = arith.constant 0 : i32
    %dma_start3A_11 = tpu.memref_slice %arg2[%dma_start3A_9, %dma_start3A_10] : memref<131072x32xf32, #tpu.memory_space<hbm>> -> memref<131072x32xf32, #tpu.memory_space<hbm>>
    tpu.enqueue_indirect_dma source(%dma_start3A_11 : memref<131072x32xf32, #tpu.memory_space<hbm>>) target(%arg7 : memref<1024x32xf32, #tpu.memory_space<vmem>>) offsets(%dma_start3A_8 : memref<1024xi32, #tpu.memory_space<vmem>>) semaphore(%arg10 : memref<!tpu.dma_semaphore, #tpu.memory_space<semaphore_mem>>)
    %dma_start3A_12 = arith.constant 2048 : i32
    %dma_start3A_13 = tpu.memref_slice %arg5[%dma_start3A_12] : memref<16384xi32, #tpu.memory_space<vmem>> -> memref<1024xi32, #tpu.memory_space<vmem>>
    %dma_start3A_14 = arith.constant 0 : i32
    %dma_start3A_15 = arith.constant 0 : i32
    %dma_start3A_16 = tpu.memref_slice %arg2[%dma_start3A_14, %dma_start3A_15] : memref<131072x32xf32, #tpu.memory_space<hbm>> -> memref<131072x32xf32, #tpu.memory_space<hbm>>
    tpu.enqueue_indirect_dma source(%dma_start3A_16 : memref<131072x32xf32, #tpu.memory_space<hbm>>) target(%arg8 : memref<1024x32xf32, #tpu.memory_space<vmem>>) offsets(%dma_start3A_13 : memref<1024xi32, #tpu.memory_space<vmem>>) semaphore(%arg11 : memref<!tpu.dma_semaphore, #tpu.memory_space<semaphore_mem>>)
    %dma_wait3A = arith.constant 0 : i32
    %dma_wait3A_17 = tpu.memref_slice %arg5[%dma_wait3A] : memref<16384xi32, #tpu.memory_space<vmem>> -> memref<1024xi32, #tpu.memory_space<vmem>>
    %dma_wait3A_18 = arith.constant 0 : i32
    %dma_wait3A_19 = arith.constant 0 : i32
    %dma_wait3A_20 = tpu.memref_slice %arg2[%dma_wait3A_18, %dma_wait3A_19] : memref<131072x32xf32, #tpu.memory_space<hbm>> -> memref<131072x32xf32, #tpu.memory_space<hbm>>
    tpu.wait_indirect_dma semaphore(%arg9 : memref<!tpu.dma_semaphore, #tpu.memory_space<semaphore_mem>>) src(%dma_wait3A_20 : memref<131072x32xf32, #tpu.memory_space<hbm>>) dst(%arg6 : memref<1024x32xf32, #tpu.memory_space<vmem>>)
    %add3A_21 = arith.constant 0 : i32
    %add3A_22 = arith.addi %mul3A_2, %add3A_21 : i32
    %dma_start3A_23 = arith.constant 0 : i32
    %dma_start3A_24 = tpu.memref_slice %arg4[%add3A_22, %dma_start3A_23] : memref<524288x32xf32, #tpu.memory_space<hbm>> -> memref<1024x32xf32, #tpu.memory_space<hbm>>
    %dma_start3A_25 = arith.constant 0 : i32
    %dma_start3A_26 = tpu.memref_slice %arg4[%add3A_22, %dma_start3A_25] : memref<524288x32xf32, #tpu.memory_space<hbm>> -> memref<1024x32xf32, #tpu.memory_space<hbm>>
    tpu.enqueue_dma source(%arg6 : memref<1024x32xf32, #tpu.memory_space<vmem>>) target(%dma_start3A_26 : memref<1024x32xf32, #tpu.memory_space<hbm>>) target_semaphore(%arg12 : memref<!tpu.dma_semaphore, #tpu.memory_space<semaphore_mem>>)
    %dma_wait3A_27 = arith.constant 0 : i32
    %dma_wait3A_28 = tpu.memref_slice %arg4[%add3A_22, %dma_wait3A_27] : memref<524288x32xf32, #tpu.memory_space<hbm>> -> memref<1024x32xf32, #tpu.memory_space<hbm>>
    %dma_wait3A_29 = arith.constant 0 : i32
    %dma_wait3A_30 = tpu.memref_slice %arg4[%add3A_22, %dma_wait3A_29] : memref<524288x32xf32, #tpu.memory_space<hbm>> -> memref<1024x32xf32, #tpu.memory_space<hbm>>
    tpu.wait_dma2 semaphore(%arg12 : memref<!tpu.dma_semaphore, #tpu.memory_space<semaphore_mem>>) src(%arg6 : memref<1024x32xf32, #tpu.memory_space<vmem>>) dst(%dma_wait3A_30 : memref<1024x32xf32, #tpu.memory_space<hbm>>)
    %dma_start3A_31 = arith.constant 3072 : i32
    %dma_start3A_32 = tpu.memref_slice %arg5[%dma_start3A_31] : memref<16384xi32, #tpu.memory_space<vmem>> -> memref<1024xi32, #tpu.memory_space<vmem>>
    %dma_start3A_33 = arith.constant 0 : i32
    %dma_start3A_34 = arith.constant 0 : i32
    %dma_start3A_35 = tpu.memref_slice %arg2[%dma_start3A_33, %dma_start3A_34] : memref<131072x32xf32, #tpu.memory_space<hbm>> -> memref<131072x32xf32, #tpu.memory_space<hbm>>
    tpu.enqueue_indirect_dma source(%dma_start3A_35 : memref<131072x32xf32, #tpu.memory_space<hbm>>) target(%arg6 : memref<1024x32xf32, #tpu.memory_space<vmem>>) offsets(%dma_start3A_32 : memref<1024xi32, #tpu.memory_space<vmem>>) semaphore(%arg9 : memref<!tpu.dma_semaphore, #tpu.memory_space<semaphore_mem>>)
    %dma_wait3A_36 = arith.constant 1024 : i32
    %dma_wait3A_37 = tpu.memref_slice %arg5[%dma_wait3A_36] : memref<16384xi32, #tpu.memory_space<vmem>> -> memref<1024xi32, #tpu.memory_space<vmem>>
    %dma_wait3A_38 = arith.constant 0 : i32
    %dma_wait3A_39 = arith.constant 0 : i32
    %dma_wait3A_40 = tpu.memref_slice %arg2[%dma_wait3A_38, %dma_wait3A_39] : memref<131072x32xf32, #tpu.memory_space<hbm>> -> memref<131072x32xf32, #tpu.memory_space<hbm>>
    tpu.wait_indirect_dma semaphore(%arg10 : memref<!tpu.dma_semaphore, #tpu.memory_space<semaphore_mem>>) src(%dma_wait3A_40 : memref<131072x32xf32, #tpu.memory_space<hbm>>) dst(%arg7 : memref<1024x32xf32, #tpu.memory_space<vmem>>)
    %add3A_41 = arith.constant 1024 : i32
    %add3A_42 = arith.addi %mul3A_2, %add3A_41 : i32
    %dma_start3A_43 = arith.constant 0 : i32
    %dma_start3A_44 = tpu.memref_slice %arg4[%add3A_42, %dma_start3A_43] : memref<524288x32xf32, #tpu.memory_space<hbm>> -> memref<1024x32xf32, #tpu.memory_space<hbm>>
    %dma_start3A_45 = arith.constant 0 : i32
    %dma_start3A_46 = tpu.memref_slice %arg4[%add3A_42, %dma_start3A_45] : memref<524288x32xf32, #tpu.memory_space<hbm>> -> memref<1024x32xf32, #tpu.memory_space<hbm>>
    tpu.enqueue_dma source(%arg7 : memref<1024x32xf32, #tpu.memory_space<vmem>>) target(%dma_start3A_46 : memref<1024x32xf32, #tpu.memory_space<hbm>>) target_semaphore(%arg13 : memref<!tpu.dma_semaphore, #tpu.memory_space<semaphore_mem>>)
    %dma_wait3A_47 = arith.constant 0 : i32
    %dma_wait3A_48 = tpu.memref_slice %arg4[%add3A_42, %dma_wait3A_47] : memref<524288x32xf32, #tpu.memory_space<hbm>> -> memref<1024x32xf32, #tpu.memory_space<hbm>>
    %dma_wait3A_49 = arith.constant 0 : i32
    %dma_wait3A_50 = tpu.memref_slice %arg4[%add3A_42, %dma_wait3A_49] : memref<524288x32xf32, #tpu.memory_space<hbm>> -> memref<1024x32xf32, #tpu.memory_space<hbm>>
    tpu.wait_dma2 semaphore(%arg13 : memref<!tpu.dma_semaphore, #tpu.memory_space<semaphore_mem>>) src(%arg7 : memref<1024x32xf32, #tpu.memory_space<vmem>>) dst(%dma_wait3A_50 : memref<1024x32xf32, #tpu.memory_space<hbm>>)
    %dma_start3A_51 = arith.constant 4096 : i32
    %dma_start3A_52 = tpu.memref_slice %arg5[%dma_start3A_51] : memref<16384xi32, #tpu.memory_space<vmem>> -> memref<1024xi32, #tpu.memory_space<vmem>>
    %dma_start3A_53 = arith.constant 0 : i32
    %dma_start3A_54 = arith.constant 0 : i32
    %dma_start3A_55 = tpu.memref_slice %arg2[%dma_start3A_53, %dma_start3A_54] : memref<131072x32xf32, #tpu.memory_space<hbm>> -> memref<131072x32xf32, #tpu.memory_space<hbm>>
    tpu.enqueue_indirect_dma source(%dma_start3A_55 : memref<131072x32xf32, #tpu.memory_space<hbm>>) target(%arg7 : memref<1024x32xf32, #tpu.memory_space<vmem>>) offsets(%dma_start3A_52 : memref<1024xi32, #tpu.memory_space<vmem>>) semaphore(%arg10 : memref<!tpu.dma_semaphore, #tpu.memory_space<semaphore_mem>>)
    %dma_wait3A_56 = arith.constant 2048 : i32
    %dma_wait3A_57 = tpu.memref_slice %arg5[%dma_wait3A_56] : memref<16384xi32, #tpu.memory_space<vmem>> -> memref<1024xi32, #tpu.memory_space<vmem>>
    %dma_wait3A_58 = arith.constant 0 : i32
    %dma_wait3A_59 = arith.constant 0 : i32
    %dma_wait3A_60 = tpu.memref_slice %arg2[%dma_wait3A_58, %dma_wait3A_59] : memref<131072x32xf32, #tpu.memory_space<hbm>> -> memref<131072x32xf32, #tpu.memory_space<hbm>>
    tpu.wait_indirect_dma semaphore(%arg11 : memref<!tpu.dma_semaphore, #tpu.memory_space<semaphore_mem>>) src(%dma_wait3A_60 : memref<131072x32xf32, #tpu.memory_space<hbm>>) dst(%arg8 : memref<1024x32xf32, #tpu.memory_space<vmem>>)
    %add3A_61 = arith.constant 2048 : i32
    %add3A_62 = arith.addi %mul3A_2, %add3A_61 : i32
    %dma_start3A_63 = arith.constant 0 : i32
    %dma_start3A_64 = tpu.memref_slice %arg4[%add3A_62, %dma_start3A_63] : memref<524288x32xf32, #tpu.memory_space<hbm>> -> memref<1024x32xf32, #tpu.memory_space<hbm>>
    %dma_start3A_65 = arith.constant 0 : i32
    %dma_start3A_66 = tpu.memref_slice %arg4[%add3A_62, %dma_start3A_65] : memref<524288x32xf32, #tpu.memory_space<hbm>> -> memref<1024x32xf32, #tpu.memory_space<hbm>>
    tpu.enqueue_dma source(%arg8 : memref<1024x32xf32, #tpu.memory_space<vmem>>) target(%dma_start3A_66 : memref<1024x32xf32, #tpu.memory_space<hbm>>) target_semaphore(%arg14 : memref<!tpu.dma_semaphore, #tpu.memory_space<semaphore_mem>>)
    %dma_wait3A_67 = arith.constant 0 : i32
    %dma_wait3A_68 = tpu.memref_slice %arg4[%add3A_62, %dma_wait3A_67] : memref<524288x32xf32, #tpu.memory_space<hbm>> -> memref<1024x32xf32, #tpu.memory_space<hbm>>
    %dma_wait3A_69 = arith.constant 0 : i32
    %dma_wait3A_70 = tpu.memref_slice %arg4[%add3A_62, %dma_wait3A_69] : memref<524288x32xf32, #tpu.memory_space<hbm>> -> memref<1024x32xf32, #tpu.memory_space<hbm>>
    tpu.wait_dma2 semaphore(%arg14 : memref<!tpu.dma_semaphore, #tpu.memory_space<semaphore_mem>>) src(%arg8 : memref<1024x32xf32, #tpu.memory_space<vmem>>) dst(%dma_wait3A_70 : memref<1024x32xf32, #tpu.memory_space<hbm>>)
    %dma_start3A_71 = arith.constant 5120 : i32
    %dma_start3A_72 = tpu.memref_slice %arg5[%dma_start3A_71] : memref<16384xi32, #tpu.memory_space<vmem>> -> memref<1024xi32, #tpu.memory_space<vmem>>
    %dma_start3A_73 = arith.constant 0 : i32
    %dma_start3A_74 = arith.constant 0 : i32
    %dma_start3A_75 = tpu.memref_slice %arg2[%dma_start3A_73, %dma_start3A_74] : memref<131072x32xf32, #tpu.memory_space<hbm>> -> memref<131072x32xf32, #tpu.memory_space<hbm>>
    tpu.enqueue_indirect_dma source(%dma_start3A_75 : memref<131072x32xf32, #tpu.memory_space<hbm>>) target(%arg8 : memref<1024x32xf32, #tpu.memory_space<vmem>>) offsets(%dma_start3A_72 : memref<1024xi32, #tpu.memory_space<vmem>>) semaphore(%arg11 : memref<!tpu.dma_semaphore, #tpu.memory_space<semaphore_mem>>)
    %dma_wait3A_76 = arith.constant 3072 : i32
    %dma_wait3A_77 = tpu.memref_slice %arg5[%dma_wait3A_76] : memref<16384xi32, #tpu.memory_space<vmem>> -> memref<1024xi32, #tpu.memory_space<vmem>>
    %dma_wait3A_78 = arith.constant 0 : i32
    %dma_wait3A_79 = arith.constant 0 : i32
    %dma_wait3A_80 = tpu.memref_slice %arg2[%dma_wait3A_78, %dma_wait3A_79] : memref<131072x32xf32, #tpu.memory_space<hbm>> -> memref<131072x32xf32, #tpu.memory_space<hbm>>
    tpu.wait_indirect_dma semaphore(%arg9 : memref<!tpu.dma_semaphore, #tpu.memory_space<semaphore_mem>>) src(%dma_wait3A_80 : memref<131072x32xf32, #tpu.memory_space<hbm>>) dst(%arg6 : memref<1024x32xf32, #tpu.memory_space<vmem>>)
    %add3A_81 = arith.constant 3072 : i32
    %add3A_82 = arith.addi %mul3A_2, %add3A_81 : i32
    %dma_start3A_83 = arith.constant 0 : i32
    %dma_start3A_84 = tpu.memref_slice %arg4[%add3A_82, %dma_start3A_83] : memref<524288x32xf32, #tpu.memory_space<hbm>> -> memref<1024x32xf32, #tpu.memory_space<hbm>>
    %dma_start3A_85 = arith.constant 0 : i32
    %dma_start3A_86 = tpu.memref_slice %arg4[%add3A_82, %dma_start3A_85] : memref<524288x32xf32, #tpu.memory_space<hbm>> -> memref<1024x32xf32, #tpu.memory_space<hbm>>
    tpu.enqueue_dma source(%arg6 : memref<1024x32xf32, #tpu.memory_space<vmem>>) target(%dma_start3A_86 : memref<1024x32xf32, #tpu.memory_space<hbm>>) target_semaphore(%arg12 : memref<!tpu.dma_semaphore, #tpu.memory_space<semaphore_mem>>)
    %dma_wait3A_87 = arith.constant 0 : i32
    %dma_wait3A_88 = tpu.memref_slice %arg4[%add3A_82, %dma_wait3A_87] : memref<524288x32xf32, #tpu.memory_space<hbm>> -> memref<1024x32xf32, #tpu.memory_space<hbm>>
    %dma_wait3A_89 = arith.constant 0 : i32
    %dma_wait3A_90 = tpu.memref_slice %arg4[%add3A_82, %dma_wait3A_89] : memref<524288x32xf32, #tpu.memory_space<hbm>> -> memref<1024x32xf32, #tpu.memory_space<hbm>>
    tpu.wait_dma2 semaphore(%arg12 : memref<!tpu.dma_semaphore, #tpu.memory_space<semaphore_mem>>) src(%arg6 : memref<1024x32xf32, #tpu.memory_space<vmem>>) dst(%dma_wait3A_90 : memref<1024x32xf32, #tpu.memory_space<hbm>>)
    %dma_start3A_91 = arith.constant 6144 : i32
    %dma_start3A_92 = tpu.memref_slice %arg5[%dma_start3A_91] : memref<16384xi32, #tpu.memory_space<vmem>> -> memref<1024xi32, #tpu.memory_space<vmem>>
    %dma_start3A_93 = arith.constant 0 : i32
    %dma_start3A_94 = arith.constant 0 : i32
    %dma_start3A_95 = tpu.memref_slice %arg2[%dma_start3A_93, %dma_start3A_94] : memref<131072x32xf32, #tpu.memory_space<hbm>> -> memref<131072x32xf32, #tpu.memory_space<hbm>>
    tpu.enqueue_indirect_dma source(%dma_start3A_95 : memref<131072x32xf32, #tpu.memory_space<hbm>>) target(%arg6 : memref<1024x32xf32, #tpu.memory_space<vmem>>) offsets(%dma_start3A_92 : memref<1024xi32, #tpu.memory_space<vmem>>) semaphore(%arg9 : memref<!tpu.dma_semaphore, #tpu.memory_space<semaphore_mem>>)
    %dma_wait3A_96 = arith.constant 4096 : i32
    %dma_wait3A_97 = tpu.memref_slice %arg5[%dma_wait3A_96] : memref<16384xi32, #tpu.memory_space<vmem>> -> memref<1024xi32, #tpu.memory_space<vmem>>
    %dma_wait3A_98 = arith.constant 0 : i32
    %dma_wait3A_99 = arith.constant 0 : i32
    %dma_wait3A_100 = tpu.memref_slice %arg2[%dma_wait3A_98, %dma_wait3A_99] : memref<131072x32xf32, #tpu.memory_space<hbm>> -> memref<131072x32xf32, #tpu.memory_space<hbm>>
    tpu.wait_indirect_dma semaphore(%arg10 : memref<!tpu.dma_semaphore, #tpu.memory_space<semaphore_mem>>) src(%dma_wait3A_100 : memref<131072x32xf32, #tpu.memory_space<hbm>>) dst(%arg7 : memref<1024x32xf32, #tpu.memory_space<vmem>>)
    %add3A_101 = arith.constant 4096 : i32
    %add3A_102 = arith.addi %mul3A_2, %add3A_101 : i32
    %dma_start3A_103 = arith.constant 0 : i32
    %dma_start3A_104 = tpu.memref_slice %arg4[%add3A_102, %dma_start3A_103] : memref<524288x32xf32, #tpu.memory_space<hbm>> -> memref<1024x32xf32, #tpu.memory_space<hbm>>
    %dma_start3A_105 = arith.constant 0 : i32
    %dma_start3A_106 = tpu.memref_slice %arg4[%add3A_102, %dma_start3A_105] : memref<524288x32xf32, #tpu.memory_space<hbm>> -> memref<1024x32xf32, #tpu.memory_space<hbm>>
    tpu.enqueue_dma source(%arg7 : memref<1024x32xf32, #tpu.memory_space<vmem>>) target(%dma_start3A_106 : memref<1024x32xf32, #tpu.memory_space<hbm>>) target_semaphore(%arg13 : memref<!tpu.dma_semaphore, #tpu.memory_space<semaphore_mem>>)
    %dma_wait3A_107 = arith.constant 0 : i32
    %dma_wait3A_108 = tpu.memref_slice %arg4[%add3A_102, %dma_wait3A_107] : memref<524288x32xf32, #tpu.memory_space<hbm>> -> memref<1024x32xf32, #tpu.memory_space<hbm>>
    %dma_wait3A_109 = arith.constant 0 : i32
    %dma_wait3A_110 = tpu.memref_slice %arg4[%add3A_102, %dma_wait3A_109] : memref<524288x32xf32, #tpu.memory_space<hbm>> -> memref<1024x32xf32, #tpu.memory_space<hbm>>
    tpu.wait_dma2 semaphore(%arg13 : memref<!tpu.dma_semaphore, #tpu.memory_space<semaphore_mem>>) src(%arg7 : memref<1024x32xf32, #tpu.memory_space<vmem>>) dst(%dma_wait3A_110 : memref<1024x32xf32, #tpu.memory_space<hbm>>)
    %dma_start3A_111 = arith.constant 7168 : i32
    %dma_start3A_112 = tpu.memref_slice %arg5[%dma_start3A_111] : memref<16384xi32, #tpu.memory_space<vmem>> -> memref<1024xi32, #tpu.memory_space<vmem>>
    %dma_start3A_113 = arith.constant 0 : i32
    %dma_start3A_114 = arith.constant 0 : i32
    %dma_start3A_115 = tpu.memref_slice %arg2[%dma_start3A_113, %dma_start3A_114] : memref<131072x32xf32, #tpu.memory_space<hbm>> -> memref<131072x32xf32, #tpu.memory_space<hbm>>
    tpu.enqueue_indirect_dma source(%dma_start3A_115 : memref<131072x32xf32, #tpu.memory_space<hbm>>) target(%arg7 : memref<1024x32xf32, #tpu.memory_space<vmem>>) offsets(%dma_start3A_112 : memref<1024xi32, #tpu.memory_space<vmem>>) semaphore(%arg10 : memref<!tpu.dma_semaphore, #tpu.memory_space<semaphore_mem>>)
    %dma_wait3A_116 = arith.constant 5120 : i32
    %dma_wait3A_117 = tpu.memref_slice %arg5[%dma_wait3A_116] : memref<16384xi32, #tpu.memory_space<vmem>> -> memref<1024xi32, #tpu.memory_space<vmem>>
    %dma_wait3A_118 = arith.constant 0 : i32
    %dma_wait3A_119 = arith.constant 0 : i32
    %dma_wait3A_120 = tpu.memref_slice %arg2[%dma_wait3A_118, %dma_wait3A_119] : memref<131072x32xf32, #tpu.memory_space<hbm>> -> memref<131072x32xf32, #tpu.memory_space<hbm>>
    tpu.wait_indirect_dma semaphore(%arg11 : memref<!tpu.dma_semaphore, #tpu.memory_space<semaphore_mem>>) src(%dma_wait3A_120 : memref<131072x32xf32, #tpu.memory_space<hbm>>) dst(%arg8 : memref<1024x32xf32, #tpu.memory_space<vmem>>)
    %add3A_121 = arith.constant 5120 : i32
    %add3A_122 = arith.addi %mul3A_2, %add3A_121 : i32
    %dma_start3A_123 = arith.constant 0 : i32
    %dma_start3A_124 = tpu.memref_slice %arg4[%add3A_122, %dma_start3A_123] : memref<524288x32xf32, #tpu.memory_space<hbm>> -> memref<1024x32xf32, #tpu.memory_space<hbm>>
    %dma_start3A_125 = arith.constant 0 : i32
    %dma_start3A_126 = tpu.memref_slice %arg4[%add3A_122, %dma_start3A_125] : memref<524288x32xf32, #tpu.memory_space<hbm>> -> memref<1024x32xf32, #tpu.memory_space<hbm>>
    tpu.enqueue_dma source(%arg8 : memref<1024x32xf32, #tpu.memory_space<vmem>>) target(%dma_start3A_126 : memref<1024x32xf32, #tpu.memory_space<hbm>>) target_semaphore(%arg14 : memref<!tpu.dma_semaphore, #tpu.memory_space<semaphore_mem>>)
    %dma_wait3A_127 = arith.constant 0 : i32
    %dma_wait3A_128 = tpu.memref_slice %arg4[%add3A_122, %dma_wait3A_127] : memref<524288x32xf32, #tpu.memory_space<hbm>> -> memref<1024x32xf32, #tpu.memory_space<hbm>>
    %dma_wait3A_129 = arith.constant 0 : i32
    %dma_wait3A_130 = tpu.memref_slice %arg4[%add3A_122, %dma_wait3A_129] : memref<524288x32xf32, #tpu.memory_space<hbm>> -> memref<1024x32xf32, #tpu.memory_space<hbm>>
    tpu.wait_dma2 semaphore(%arg14 : memref<!tpu.dma_semaphore, #tpu.memory_space<semaphore_mem>>) src(%arg8 : memref<1024x32xf32, #tpu.memory_space<vmem>>) dst(%dma_wait3A_130 : memref<1024x32xf32, #tpu.memory_space<hbm>>)
    %dma_start3A_131 = arith.constant 8192 : i32
    %dma_start3A_132 = tpu.memref_slice %arg5[%dma_start3A_131] : memref<16384xi32, #tpu.memory_space<vmem>> -> memref<1024xi32, #tpu.memory_space<vmem>>
    %dma_start3A_133 = arith.constant 0 : i32
    %dma_start3A_134 = arith.constant 0 : i32
    %dma_start3A_135 = tpu.memref_slice %arg2[%dma_start3A_133, %dma_start3A_134] : memref<131072x32xf32, #tpu.memory_space<hbm>> -> memref<131072x32xf32, #tpu.memory_space<hbm>>
    tpu.enqueue_indirect_dma source(%dma_start3A_135 : memref<131072x32xf32, #tpu.memory_space<hbm>>) target(%arg8 : memref<1024x32xf32, #tpu.memory_space<vmem>>) offsets(%dma_start3A_132 : memref<1024xi32, #tpu.memory_space<vmem>>) semaphore(%arg11 : memref<!tpu.dma_semaphore, #tpu.memory_space<semaphore_mem>>)
    %dma_wait3A_136 = arith.constant 6144 : i32
    %dma_wait3A_137 = tpu.memref_slice %arg5[%dma_wait3A_136] : memref<16384xi32, #tpu.memory_space<vmem>> -> memref<1024xi32, #tpu.memory_space<vmem>>
    %dma_wait3A_138 = arith.constant 0 : i32
    %dma_wait3A_139 = arith.constant 0 : i32
    %dma_wait3A_140 = tpu.memref_slice %arg2[%dma_wait3A_138, %dma_wait3A_139] : memref<131072x32xf32, #tpu.memory_space<hbm>> -> memref<131072x32xf32, #tpu.memory_space<hbm>>
    tpu.wait_indirect_dma semaphore(%arg9 : memref<!tpu.dma_semaphore, #tpu.memory_space<semaphore_mem>>) src(%dma_wait3A_140 : memref<131072x32xf32, #tpu.memory_space<hbm>>) dst(%arg6 : memref<1024x32xf32, #tpu.memory_space<vmem>>)
    %add3A_141 = arith.constant 6144 : i32
    %add3A_142 = arith.addi %mul3A_2, %add3A_141 : i32
    %dma_start3A_143 = arith.constant 0 : i32
    %dma_start3A_144 = tpu.memref_slice %arg4[%add3A_142, %dma_start3A_143] : memref<524288x32xf32, #tpu.memory_space<hbm>> -> memref<1024x32xf32, #tpu.memory_space<hbm>>
    %dma_start3A_145 = arith.constant 0 : i32
    %dma_start3A_146 = tpu.memref_slice %arg4[%add3A_142, %dma_start3A_145] : memref<524288x32xf32, #tpu.memory_space<hbm>> -> memref<1024x32xf32, #tpu.memory_space<hbm>>
    tpu.enqueue_dma source(%arg6 : memref<1024x32xf32, #tpu.memory_space<vmem>>) target(%dma_start3A_146 : memref<1024x32xf32, #tpu.memory_space<hbm>>) target_semaphore(%arg12 : memref<!tpu.dma_semaphore, #tpu.memory_space<semaphore_mem>>)
    %dma_wait3A_147 = arith.constant 0 : i32
    %dma_wait3A_148 = tpu.memref_slice %arg4[%add3A_142, %dma_wait3A_147] : memref<524288x32xf32, #tpu.memory_space<hbm>> -> memref<1024x32xf32, #tpu.memory_space<hbm>>
    %dma_wait3A_149 = arith.constant 0 : i32
    %dma_wait3A_150 = tpu.memref_slice %arg4[%add3A_142, %dma_wait3A_149] : memref<524288x32xf32, #tpu.memory_space<hbm>> -> memref<1024x32xf32, #tpu.memory_space<hbm>>
    tpu.wait_dma2 semaphore(%arg12 : memref<!tpu.dma_semaphore, #tpu.memory_space<semaphore_mem>>) src(%arg6 : memref<1024x32xf32, #tpu.memory_space<vmem>>) dst(%dma_wait3A_150 : memref<1024x32xf32, #tpu.memory_space<hbm>>)
    %dma_start3A_151 = arith.constant 9216 : i32
    %dma_start3A_152 = tpu.memref_slice %arg5[%dma_start3A_151] : memref<16384xi32, #tpu.memory_space<vmem>> -> memref<1024xi32, #tpu.memory_space<vmem>>
    %dma_start3A_153 = arith.constant 0 : i32
    %dma_start3A_154 = arith.constant 0 : i32
    %dma_start3A_155 = tpu.memref_slice %arg2[%dma_start3A_153, %dma_start3A_154] : memref<131072x32xf32, #tpu.memory_space<hbm>> -> memref<131072x32xf32, #tpu.memory_space<hbm>>
    tpu.enqueue_indirect_dma source(%dma_start3A_155 : memref<131072x32xf32, #tpu.memory_space<hbm>>) target(%arg6 : memref<1024x32xf32, #tpu.memory_space<vmem>>) offsets(%dma_start3A_152 : memref<1024xi32, #tpu.memory_space<vmem>>) semaphore(%arg9 : memref<!tpu.dma_semaphore, #tpu.memory_space<semaphore_mem>>)
    %dma_wait3A_156 = arith.constant 7168 : i32
    %dma_wait3A_157 = tpu.memref_slice %arg5[%dma_wait3A_156] : memref<16384xi32, #tpu.memory_space<vmem>> -> memref<1024xi32, #tpu.memory_space<vmem>>
    %dma_wait3A_158 = arith.constant 0 : i32
    %dma_wait3A_159 = arith.constant 0 : i32
    %dma_wait3A_160 = tpu.memref_slice %arg2[%dma_wait3A_158, %dma_wait3A_159] : memref<131072x32xf32, #tpu.memory_space<hbm>> -> memref<131072x32xf32, #tpu.memory_space<hbm>>
    tpu.wait_indirect_dma semaphore(%arg10 : memref<!tpu.dma_semaphore, #tpu.memory_space<semaphore_mem>>) src(%dma_wait3A_160 : memref<131072x32xf32, #tpu.memory_space<hbm>>) dst(%arg7 : memref<1024x32xf32, #tpu.memory_space<vmem>>)
    %add3A_161 = arith.constant 7168 : i32
    %add3A_162 = arith.addi %mul3A_2, %add3A_161 : i32
    %dma_start3A_163 = arith.constant 0 : i32
    %dma_start3A_164 = tpu.memref_slice %arg4[%add3A_162, %dma_start3A_163] : memref<524288x32xf32, #tpu.memory_space<hbm>> -> memref<1024x32xf32, #tpu.memory_space<hbm>>
    %dma_start3A_165 = arith.constant 0 : i32
    %dma_start3A_166 = tpu.memref_slice %arg4[%add3A_162, %dma_start3A_165] : memref<524288x32xf32, #tpu.memory_space<hbm>> -> memref<1024x32xf32, #tpu.memory_space<hbm>>
    tpu.enqueue_dma source(%arg7 : memref<1024x32xf32, #tpu.memory_space<vmem>>) target(%dma_start3A_166 : memref<1024x32xf32, #tpu.memory_space<hbm>>) target_semaphore(%arg13 : memref<!tpu.dma_semaphore, #tpu.memory_space<semaphore_mem>>)
    %dma_wait3A_167 = arith.constant 0 : i32
    %dma_wait3A_168 = tpu.memref_slice %arg4[%add3A_162, %dma_wait3A_167] : memref<524288x32xf32, #tpu.memory_space<hbm>> -> memref<1024x32xf32, #tpu.memory_space<hbm>>
    %dma_wait3A_169 = arith.constant 0 : i32
    %dma_wait3A_170 = tpu.memref_slice %arg4[%add3A_162, %dma_wait3A_169] : memref<524288x32xf32, #tpu.memory_space<hbm>> -> memref<1024x32xf32, #tpu.memory_space<hbm>>
    tpu.wait_dma2 semaphore(%arg13 : memref<!tpu.dma_semaphore, #tpu.memory_space<semaphore_mem>>) src(%arg7 : memref<1024x32xf32, #tpu.memory_space<vmem>>) dst(%dma_wait3A_170 : memref<1024x32xf32, #tpu.memory_space<hbm>>)
    %dma_start3A_171 = arith.constant 10240 : i32
    %dma_start3A_172 = tpu.memref_slice %arg5[%dma_start3A_171] : memref<16384xi32, #tpu.memory_space<vmem>> -> memref<1024xi32, #tpu.memory_space<vmem>>
    %dma_start3A_173 = arith.constant 0 : i32
    %dma_start3A_174 = arith.constant 0 : i32
    %dma_start3A_175 = tpu.memref_slice %arg2[%dma_start3A_173, %dma_start3A_174] : memref<131072x32xf32, #tpu.memory_space<hbm>> -> memref<131072x32xf32, #tpu.memory_space<hbm>>
    tpu.enqueue_indirect_dma source(%dma_start3A_175 : memref<131072x32xf32, #tpu.memory_space<hbm>>) target(%arg7 : memref<1024x32xf32, #tpu.memory_space<vmem>>) offsets(%dma_start3A_172 : memref<1024xi32, #tpu.memory_space<vmem>>) semaphore(%arg10 : memref<!tpu.dma_semaphore, #tpu.memory_space<semaphore_mem>>)
    %dma_wait3A_176 = arith.constant 8192 : i32
    %dma_wait3A_177 = tpu.memref_slice %arg5[%dma_wait3A_176] : memref<16384xi32, #tpu.memory_space<vmem>> -> memref<1024xi32, #tpu.memory_space<vmem>>
    %dma_wait3A_178 = arith.constant 0 : i32
    %dma_wait3A_179 = arith.constant 0 : i32
    %dma_wait3A_180 = tpu.memref_slice %arg2[%dma_wait3A_178, %dma_wait3A_179] : memref<131072x32xf32, #tpu.memory_space<hbm>> -> memref<131072x32xf32, #tpu.memory_space<hbm>>
    tpu.wait_indirect_dma semaphore(%arg11 : memref<!tpu.dma_semaphore, #tpu.memory_space<semaphore_mem>>) src(%dma_wait3A_180 : memref<131072x32xf32, #tpu.memory_space<hbm>>) dst(%arg8 : memref<1024x32xf32, #tpu.memory_space<vmem>>)
    %add3A_181 = arith.constant 8192 : i32
    %add3A_182 = arith.addi %mul3A_2, %add3A_181 : i32
    %dma_start3A_183 = arith.constant 0 : i32
    %dma_start3A_184 = tpu.memref_slice %arg4[%add3A_182, %dma_start3A_183] : memref<524288x32xf32, #tpu.memory_space<hbm>> -> memref<1024x32xf32, #tpu.memory_space<hbm>>
    %dma_start3A_185 = arith.constant 0 : i32
    %dma_start3A_186 = tpu.memref_slice %arg4[%add3A_182, %dma_start3A_185] : memref<524288x32xf32, #tpu.memory_space<hbm>> -> memref<1024x32xf32, #tpu.memory_space<hbm>>
    tpu.enqueue_dma source(%arg8 : memref<1024x32xf32, #tpu.memory_space<vmem>>) target(%dma_start3A_186 : memref<1024x32xf32, #tpu.memory_space<hbm>>) target_semaphore(%arg14 : memref<!tpu.dma_semaphore, #tpu.memory_space<semaphore_mem>>)
    %dma_wait3A_187 = arith.constant 0 : i32
    %dma_wait3A_188 = tpu.memref_slice %arg4[%add3A_182, %dma_wait3A_187] : memref<524288x32xf32, #tpu.memory_space<hbm>> -> memref<1024x32xf32, #tpu.memory_space<hbm>>
    %dma_wait3A_189 = arith.constant 0 : i32
    %dma_wait3A_190 = tpu.memref_slice %arg4[%add3A_182, %dma_wait3A_189] : memref<524288x32xf32, #tpu.memory_space<hbm>> -> memref<1024x32xf32, #tpu.memory_space<hbm>>
    tpu.wait_dma2 semaphore(%arg14 : memref<!tpu.dma_semaphore, #tpu.memory_space<semaphore_mem>>) src(%arg8 : memref<1024x32xf32, #tpu.memory_space<vmem>>) dst(%dma_wait3A_190 : memref<1024x32xf32, #tpu.memory_space<hbm>>)
    %dma_start3A_191 = arith.constant 11264 : i32
    %dma_start3A_192 = tpu.memref_slice %arg5[%dma_start3A_191] : memref<16384xi32, #tpu.memory_space<vmem>> -> memref<1024xi32, #tpu.memory_space<vmem>>
    %dma_start3A_193 = arith.constant 0 : i32
    %dma_start3A_194 = arith.constant 0 : i32
    %dma_start3A_195 = tpu.memref_slice %arg2[%dma_start3A_193, %dma_start3A_194] : memref<131072x32xf32, #tpu.memory_space<hbm>> -> memref<131072x32xf32, #tpu.memory_space<hbm>>
    tpu.enqueue_indirect_dma source(%dma_start3A_195 : memref<131072x32xf32, #tpu.memory_space<hbm>>) target(%arg8 : memref<1024x32xf32, #tpu.memory_space<vmem>>) offsets(%dma_start3A_192 : memref<1024xi32, #tpu.memory_space<vmem>>) semaphore(%arg11 : memref<!tpu.dma_semaphore, #tpu.memory_space<semaphore_mem>>)
    %dma_wait3A_196 = arith.constant 9216 : i32
    %dma_wait3A_197 = tpu.memref_slice %arg5[%dma_wait3A_196] : memref<16384xi32, #tpu.memory_space<vmem>> -> memref<1024xi32, #tpu.memory_space<vmem>>
    %dma_wait3A_198 = arith.constant 0 : i32
    %dma_wait3A_199 = arith.constant 0 : i32
    %dma_wait3A_200 = tpu.memref_slice %arg2[%dma_wait3A_198, %dma_wait3A_199] : memref<131072x32xf32, #tpu.memory_space<hbm>> -> memref<131072x32xf32, #tpu.memory_space<hbm>>
    tpu.wait_indirect_dma semaphore(%arg9 : memref<!tpu.dma_semaphore, #tpu.memory_space<semaphore_mem>>) src(%dma_wait3A_200 : memref<131072x32xf32, #tpu.memory_space<hbm>>) dst(%arg6 : memref<1024x32xf32, #tpu.memory_space<vmem>>)
    %add3A_201 = arith.constant 9216 : i32
    %add3A_202 = arith.addi %mul3A_2, %add3A_201 : i32
    %dma_start3A_203 = arith.constant 0 : i32
    %dma_start3A_204 = tpu.memref_slice %arg4[%add3A_202, %dma_start3A_203] : memref<524288x32xf32, #tpu.memory_space<hbm>> -> memref<1024x32xf32, #tpu.memory_space<hbm>>
    %dma_start3A_205 = arith.constant 0 : i32
    %dma_start3A_206 = tpu.memref_slice %arg4[%add3A_202, %dma_start3A_205] : memref<524288x32xf32, #tpu.memory_space<hbm>> -> memref<1024x32xf32, #tpu.memory_space<hbm>>
    tpu.enqueue_dma source(%arg6 : memref<1024x32xf32, #tpu.memory_space<vmem>>) target(%dma_start3A_206 : memref<1024x32xf32, #tpu.memory_space<hbm>>) target_semaphore(%arg12 : memref<!tpu.dma_semaphore, #tpu.memory_space<semaphore_mem>>)
    %dma_wait3A_207 = arith.constant 0 : i32
    %dma_wait3A_208 = tpu.memref_slice %arg4[%add3A_202, %dma_wait3A_207] : memref<524288x32xf32, #tpu.memory_space<hbm>> -> memref<1024x32xf32, #tpu.memory_space<hbm>>
    %dma_wait3A_209 = arith.constant 0 : i32
    %dma_wait3A_210 = tpu.memref_slice %arg4[%add3A_202, %dma_wait3A_209] : memref<524288x32xf32, #tpu.memory_space<hbm>> -> memref<1024x32xf32, #tpu.memory_space<hbm>>
    tpu.wait_dma2 semaphore(%arg12 : memref<!tpu.dma_semaphore, #tpu.memory_space<semaphore_mem>>) src(%arg6 : memref<1024x32xf32, #tpu.memory_space<vmem>>) dst(%dma_wait3A_210 : memref<1024x32xf32, #tpu.memory_space<hbm>>)
    %dma_start3A_211 = arith.constant 12288 : i32
    %dma_start3A_212 = tpu.memref_slice %arg5[%dma_start3A_211] : memref<16384xi32, #tpu.memory_space<vmem>> -> memref<1024xi32, #tpu.memory_space<vmem>>
    %dma_start3A_213 = arith.constant 0 : i32
    %dma_start3A_214 = arith.constant 0 : i32
    %dma_start3A_215 = tpu.memref_slice %arg2[%dma_start3A_213, %dma_start3A_214] : memref<131072x32xf32, #tpu.memory_space<hbm>> -> memref<131072x32xf32, #tpu.memory_space<hbm>>
    tpu.enqueue_indirect_dma source(%dma_start3A_215 : memref<131072x32xf32, #tpu.memory_space<hbm>>) target(%arg6 : memref<1024x32xf32, #tpu.memory_space<vmem>>) offsets(%dma_start3A_212 : memref<1024xi32, #tpu.memory_space<vmem>>) semaphore(%arg9 : memref<!tpu.dma_semaphore, #tpu.memory_space<semaphore_mem>>)
    %dma_wait3A_216 = arith.constant 10240 : i32
    %dma_wait3A_217 = tpu.memref_slice %arg5[%dma_wait3A_216] : memref<16384xi32, #tpu.memory_space<vmem>> -> memref<1024xi32, #tpu.memory_space<vmem>>
    %dma_wait3A_218 = arith.constant 0 : i32
    %dma_wait3A_219 = arith.constant 0 : i32
    %dma_wait3A_220 = tpu.memref_slice %arg2[%dma_wait3A_218, %dma_wait3A_219] : memref<131072x32xf32, #tpu.memory_space<hbm>> -> memref<131072x32xf32, #tpu.memory_space<hbm>>
    tpu.wait_indirect_dma semaphore(%arg10 : memref<!tpu.dma_semaphore, #tpu.memory_space<semaphore_mem>>) src(%dma_wait3A_220 : memref<131072x32xf32, #tpu.memory_space<hbm>>) dst(%arg7 : memref<1024x32xf32, #tpu.memory_space<vmem>>)
    %add3A_221 = arith.constant 10240 : i32
    %add3A_222 = arith.addi %mul3A_2, %add3A_221 : i32
    %dma_start3A_223 = arith.constant 0 : i32
    %dma_start3A_224 = tpu.memref_slice %arg4[%add3A_222, %dma_start3A_223] : memref<524288x32xf32, #tpu.memory_space<hbm>> -> memref<1024x32xf32, #tpu.memory_space<hbm>>
    %dma_start3A_225 = arith.constant 0 : i32
    %dma_start3A_226 = tpu.memref_slice %arg4[%add3A_222, %dma_start3A_225] : memref<524288x32xf32, #tpu.memory_space<hbm>> -> memref<1024x32xf32, #tpu.memory_space<hbm>>
    tpu.enqueue_dma source(%arg7 : memref<1024x32xf32, #tpu.memory_space<vmem>>) target(%dma_start3A_226 : memref<1024x32xf32, #tpu.memory_space<hbm>>) target_semaphore(%arg13 : memref<!tpu.dma_semaphore, #tpu.memory_space<semaphore_mem>>)
    %dma_wait3A_227 = arith.constant 0 : i32
    %dma_wait3A_228 = tpu.memref_slice %arg4[%add3A_222, %dma_wait3A_227] : memref<524288x32xf32, #tpu.memory_space<hbm>> -> memref<1024x32xf32, #tpu.memory_space<hbm>>
    %dma_wait3A_229 = arith.constant 0 : i32
    %dma_wait3A_230 = tpu.memref_slice %arg4[%add3A_222, %dma_wait3A_229] : memref<524288x32xf32, #tpu.memory_space<hbm>> -> memref<1024x32xf32, #tpu.memory_space<hbm>>
    tpu.wait_dma2 semaphore(%arg13 : memref<!tpu.dma_semaphore, #tpu.memory_space<semaphore_mem>>) src(%arg7 : memref<1024x32xf32, #tpu.memory_space<vmem>>) dst(%dma_wait3A_230 : memref<1024x32xf32, #tpu.memory_space<hbm>>)
    %dma_start3A_231 = arith.constant 13312 : i32
    %dma_start3A_232 = tpu.memref_slice %arg5[%dma_start3A_231] : memref<16384xi32, #tpu.memory_space<vmem>> -> memref<1024xi32, #tpu.memory_space<vmem>>
    %dma_start3A_233 = arith.constant 0 : i32
    %dma_start3A_234 = arith.constant 0 : i32
    %dma_start3A_235 = tpu.memref_slice %arg2[%dma_start3A_233, %dma_start3A_234] : memref<131072x32xf32, #tpu.memory_space<hbm>> -> memref<131072x32xf32, #tpu.memory_space<hbm>>
    tpu.enqueue_indirect_dma source(%dma_start3A_235 : memref<131072x32xf32, #tpu.memory_space<hbm>>) target(%arg7 : memref<1024x32xf32, #tpu.memory_space<vmem>>) offsets(%dma_start3A_232 : memref<1024xi32, #tpu.memory_space<vmem>>) semaphore(%arg10 : memref<!tpu.dma_semaphore, #tpu.memory_space<semaphore_mem>>)
    %dma_wait3A_236 = arith.constant 11264 : i32
    %dma_wait3A_237 = tpu.memref_slice %arg5[%dma_wait3A_236] : memref<16384xi32, #tpu.memory_space<vmem>> -> memref<1024xi32, #tpu.memory_space<vmem>>
    %dma_wait3A_238 = arith.constant 0 : i32
    %dma_wait3A_239 = arith.constant 0 : i32
    %dma_wait3A_240 = tpu.memref_slice %arg2[%dma_wait3A_238, %dma_wait3A_239] : memref<131072x32xf32, #tpu.memory_space<hbm>> -> memref<131072x32xf32, #tpu.memory_space<hbm>>
    tpu.wait_indirect_dma semaphore(%arg11 : memref<!tpu.dma_semaphore, #tpu.memory_space<semaphore_mem>>) src(%dma_wait3A_240 : memref<131072x32xf32, #tpu.memory_space<hbm>>) dst(%arg8 : memref<1024x32xf32, #tpu.memory_space<vmem>>)
    %add3A_241 = arith.constant 11264 : i32
    %add3A_242 = arith.addi %mul3A_2, %add3A_241 : i32
    %dma_start3A_243 = arith.constant 0 : i32
    %dma_start3A_244 = tpu.memref_slice %arg4[%add3A_242, %dma_start3A_243] : memref<524288x32xf32, #tpu.memory_space<hbm>> -> memref<1024x32xf32, #tpu.memory_space<hbm>>
    %dma_start3A_245 = arith.constant 0 : i32
    %dma_start3A_246 = tpu.memref_slice %arg4[%add3A_242, %dma_start3A_245] : memref<524288x32xf32, #tpu.memory_space<hbm>> -> memref<1024x32xf32, #tpu.memory_space<hbm>>
    tpu.enqueue_dma source(%arg8 : memref<1024x32xf32, #tpu.memory_space<vmem>>) target(%dma_start3A_246 : memref<1024x32xf32, #tpu.memory_space<hbm>>) target_semaphore(%arg14 : memref<!tpu.dma_semaphore, #tpu.memory_space<semaphore_mem>>)
    %dma_wait3A_247 = arith.constant 0 : i32
    %dma_wait3A_248 = tpu.memref_slice %arg4[%add3A_242, %dma_wait3A_247] : memref<524288x32xf32, #tpu.memory_space<hbm>> -> memref<1024x32xf32, #tpu.memory_space<hbm>>
    %dma_wait3A_249 = arith.constant 0 : i32
    %dma_wait3A_250 = tpu.memref_slice %arg4[%add3A_242, %dma_wait3A_249] : memref<524288x32xf32, #tpu.memory_space<hbm>> -> memref<1024x32xf32, #tpu.memory_space<hbm>>
    tpu.wait_dma2 semaphore(%arg14 : memref<!tpu.dma_semaphore, #tpu.memory_space<semaphore_mem>>) src(%arg8 : memref<1024x32xf32, #tpu.memory_space<vmem>>) dst(%dma_wait3A_250 : memref<1024x32xf32, #tpu.memory_space<hbm>>)
    %dma_start3A_251 = arith.constant 14336 : i32
    %dma_start3A_252 = tpu.memref_slice %arg5[%dma_start3A_251] : memref<16384xi32, #tpu.memory_space<vmem>> -> memref<1024xi32, #tpu.memory_space<vmem>>
    %dma_start3A_253 = arith.constant 0 : i32
    %dma_start3A_254 = arith.constant 0 : i32
    %dma_start3A_255 = tpu.memref_slice %arg2[%dma_start3A_253, %dma_start3A_254] : memref<131072x32xf32, #tpu.memory_space<hbm>> -> memref<131072x32xf32, #tpu.memory_space<hbm>>
    tpu.enqueue_indirect_dma source(%dma_start3A_255 : memref<131072x32xf32, #tpu.memory_space<hbm>>) target(%arg8 : memref<1024x32xf32, #tpu.memory_space<vmem>>) offsets(%dma_start3A_252 : memref<1024xi32, #tpu.memory_space<vmem>>) semaphore(%arg11 : memref<!tpu.dma_semaphore, #tpu.memory_space<semaphore_mem>>)
    %dma_wait3A_256 = arith.constant 12288 : i32
    %dma_wait3A_257 = tpu.memref_slice %arg5[%dma_wait3A_256] : memref<16384xi32, #tpu.memory_space<vmem>> -> memref<1024xi32, #tpu.memory_space<vmem>>
    %dma_wait3A_258 = arith.constant 0 : i32
    %dma_wait3A_259 = arith.constant 0 : i32
    %dma_wait3A_260 = tpu.memref_slice %arg2[%dma_wait3A_258, %dma_wait3A_259] : memref<131072x32xf32, #tpu.memory_space<hbm>> -> memref<131072x32xf32, #tpu.memory_space<hbm>>
    tpu.wait_indirect_dma semaphore(%arg9 : memref<!tpu.dma_semaphore, #tpu.memory_space<semaphore_mem>>) src(%dma_wait3A_260 : memref<131072x32xf32, #tpu.memory_space<hbm>>) dst(%arg6 : memref<1024x32xf32, #tpu.memory_space<vmem>>)
    %add3A_261 = arith.constant 12288 : i32
    %add3A_262 = arith.addi %mul3A_2, %add3A_261 : i32
    %dma_start3A_263 = arith.constant 0 : i32
    %dma_start3A_264 = tpu.memref_slice %arg4[%add3A_262, %dma_start3A_263] : memref<524288x32xf32, #tpu.memory_space<hbm>> -> memref<1024x32xf32, #tpu.memory_space<hbm>>
    %dma_start3A_265 = arith.constant 0 : i32
    %dma_start3A_266 = tpu.memref_slice %arg4[%add3A_262, %dma_start3A_265] : memref<524288x32xf32, #tpu.memory_space<hbm>> -> memref<1024x32xf32, #tpu.memory_space<hbm>>
    tpu.enqueue_dma source(%arg6 : memref<1024x32xf32, #tpu.memory_space<vmem>>) target(%dma_start3A_266 : memref<1024x32xf32, #tpu.memory_space<hbm>>) target_semaphore(%arg12 : memref<!tpu.dma_semaphore, #tpu.memory_space<semaphore_mem>>)
    %dma_wait3A_267 = arith.constant 0 : i32
    %dma_wait3A_268 = tpu.memref_slice %arg4[%add3A_262, %dma_wait3A_267] : memref<524288x32xf32, #tpu.memory_space<hbm>> -> memref<1024x32xf32, #tpu.memory_space<hbm>>
    %dma_wait3A_269 = arith.constant 0 : i32
    %dma_wait3A_270 = tpu.memref_slice %arg4[%add3A_262, %dma_wait3A_269] : memref<524288x32xf32, #tpu.memory_space<hbm>> -> memref<1024x32xf32, #tpu.memory_space<hbm>>
    tpu.wait_dma2 semaphore(%arg12 : memref<!tpu.dma_semaphore, #tpu.memory_space<semaphore_mem>>) src(%arg6 : memref<1024x32xf32, #tpu.memory_space<vmem>>) dst(%dma_wait3A_270 : memref<1024x32xf32, #tpu.memory_space<hbm>>)
    %dma_start3A_271 = arith.constant 15360 : i32
    %dma_start3A_272 = tpu.memref_slice %arg5[%dma_start3A_271] : memref<16384xi32, #tpu.memory_space<vmem>> -> memref<1024xi32, #tpu.memory_space<vmem>>
    %dma_start3A_273 = arith.constant 0 : i32
    %dma_start3A_274 = arith.constant 0 : i32
    %dma_start3A_275 = tpu.memref_slice %arg2[%dma_start3A_273, %dma_start3A_274] : memref<131072x32xf32, #tpu.memory_space<hbm>> -> memref<131072x32xf32, #tpu.memory_space<hbm>>
    tpu.enqueue_indirect_dma source(%dma_start3A_275 : memref<131072x32xf32, #tpu.memory_space<hbm>>) target(%arg6 : memref<1024x32xf32, #tpu.memory_space<vmem>>) offsets(%dma_start3A_272 : memref<1024xi32, #tpu.memory_space<vmem>>) semaphore(%arg9 : memref<!tpu.dma_semaphore, #tpu.memory_space<semaphore_mem>>)
    %dma_wait3A_276 = arith.constant 13312 : i32
    %dma_wait3A_277 = tpu.memref_slice %arg5[%dma_wait3A_276] : memref<16384xi32, #tpu.memory_space<vmem>> -> memref<1024xi32, #tpu.memory_space<vmem>>
    %dma_wait3A_278 = arith.constant 0 : i32
    %dma_wait3A_279 = arith.constant 0 : i32
    %dma_wait3A_280 = tpu.memref_slice %arg2[%dma_wait3A_278, %dma_wait3A_279] : memref<131072x32xf32, #tpu.memory_space<hbm>> -> memref<131072x32xf32, #tpu.memory_space<hbm>>
    tpu.wait_indirect_dma semaphore(%arg10 : memref<!tpu.dma_semaphore, #tpu.memory_space<semaphore_mem>>) src(%dma_wait3A_280 : memref<131072x32xf32, #tpu.memory_space<hbm>>) dst(%arg7 : memref<1024x32xf32, #tpu.memory_space<vmem>>)
    %add3A_281 = arith.constant 13312 : i32
    %add3A_282 = arith.addi %mul3A_2, %add3A_281 : i32
    %dma_start3A_283 = arith.constant 0 : i32
    %dma_start3A_284 = tpu.memref_slice %arg4[%add3A_282, %dma_start3A_283] : memref<524288x32xf32, #tpu.memory_space<hbm>> -> memref<1024x32xf32, #tpu.memory_space<hbm>>
    %dma_start3A_285 = arith.constant 0 : i32
    %dma_start3A_286 = tpu.memref_slice %arg4[%add3A_282, %dma_start3A_285] : memref<524288x32xf32, #tpu.memory_space<hbm>> -> memref<1024x32xf32, #tpu.memory_space<hbm>>
    tpu.enqueue_dma source(%arg7 : memref<1024x32xf32, #tpu.memory_space<vmem>>) target(%dma_start3A_286 : memref<1024x32xf32, #tpu.memory_space<hbm>>) target_semaphore(%arg13 : memref<!tpu.dma_semaphore, #tpu.memory_space<semaphore_mem>>)
    %dma_wait3A_287 = arith.constant 14336 : i32
    %dma_wait3A_288 = tpu.memref_slice %arg5[%dma_wait3A_287] : memref<16384xi32, #tpu.memory_space<vmem>> -> memref<1024xi32, #tpu.memory_space<vmem>>
    %dma_wait3A_289 = arith.constant 0 : i32
    %dma_wait3A_290 = arith.constant 0 : i32
    %dma_wait3A_291 = tpu.memref_slice %arg2[%dma_wait3A_289, %dma_wait3A_290] : memref<131072x32xf32, #tpu.memory_space<hbm>> -> memref<131072x32xf32, #tpu.memory_space<hbm>>
    tpu.wait_indirect_dma semaphore(%arg11 : memref<!tpu.dma_semaphore, #tpu.memory_space<semaphore_mem>>) src(%dma_wait3A_291 : memref<131072x32xf32, #tpu.memory_space<hbm>>) dst(%arg8 : memref<1024x32xf32, #tpu.memory_space<vmem>>)
    %add3A_292 = arith.constant 14336 : i32
    %add3A_293 = arith.addi %mul3A_2, %add3A_292 : i32
    %dma_start3A_294 = arith.constant 0 : i32
    %dma_start3A_295 = tpu.memref_slice %arg4[%add3A_293, %dma_start3A_294] : memref<524288x32xf32, #tpu.memory_space<hbm>> -> memref<1024x32xf32, #tpu.memory_space<hbm>>
    %dma_start3A_296 = arith.constant 0 : i32
    %dma_start3A_297 = tpu.memref_slice %arg4[%add3A_293, %dma_start3A_296] : memref<524288x32xf32, #tpu.memory_space<hbm>> -> memref<1024x32xf32, #tpu.memory_space<hbm>>
    tpu.enqueue_dma source(%arg8 : memref<1024x32xf32, #tpu.memory_space<vmem>>) target(%dma_start3A_297 : memref<1024x32xf32, #tpu.memory_space<hbm>>) target_semaphore(%arg14 : memref<!tpu.dma_semaphore, #tpu.memory_space<semaphore_mem>>)
    %dma_wait3A_298 = arith.constant 15360 : i32
    %dma_wait3A_299 = tpu.memref_slice %arg5[%dma_wait3A_298] : memref<16384xi32, #tpu.memory_space<vmem>> -> memref<1024xi32, #tpu.memory_space<vmem>>
    %dma_wait3A_300 = arith.constant 0 : i32
    %dma_wait3A_301 = arith.constant 0 : i32
    %dma_wait3A_302 = tpu.memref_slice %arg2[%dma_wait3A_300, %dma_wait3A_301] : memref<131072x32xf32, #tpu.memory_space<hbm>> -> memref<131072x32xf32, #tpu.memory_space<hbm>>
    tpu.wait_indirect_dma semaphore(%arg9 : memref<!tpu.dma_semaphore, #tpu.memory_space<semaphore_mem>>) src(%dma_wait3A_302 : memref<131072x32xf32, #tpu.memory_space<hbm>>) dst(%arg6 : memref<1024x32xf32, #tpu.memory_space<vmem>>)
    %add3A_303 = arith.constant 15360 : i32
    %add3A_304 = arith.addi %mul3A_2, %add3A_303 : i32
    %dma_start3A_305 = arith.constant 0 : i32
    %dma_start3A_306 = tpu.memref_slice %arg4[%add3A_304, %dma_start3A_305] : memref<524288x32xf32, #tpu.memory_space<hbm>> -> memref<1024x32xf32, #tpu.memory_space<hbm>>
    %dma_start3A_307 = arith.constant 0 : i32
    %dma_start3A_308 = tpu.memref_slice %arg4[%add3A_304, %dma_start3A_307] : memref<524288x32xf32, #tpu.memory_space<hbm>> -> memref<1024x32xf32, #tpu.memory_space<hbm>>
    tpu.enqueue_dma source(%arg6 : memref<1024x32xf32, #tpu.memory_space<vmem>>) target(%dma_start3A_308 : memref<1024x32xf32, #tpu.memory_space<hbm>>) target_semaphore(%arg12 : memref<!tpu.dma_semaphore, #tpu.memory_space<semaphore_mem>>)
    %dma_wait3A_309 = arith.constant 0 : i32
    %dma_wait3A_310 = tpu.memref_slice %arg4[%add3A_282, %dma_wait3A_309] : memref<524288x32xf32, #tpu.memory_space<hbm>> -> memref<1024x32xf32, #tpu.memory_space<hbm>>
    %dma_wait3A_311 = arith.constant 0 : i32
    %dma_wait3A_312 = tpu.memref_slice %arg4[%add3A_282, %dma_wait3A_311] : memref<524288x32xf32, #tpu.memory_space<hbm>> -> memref<1024x32xf32, #tpu.memory_space<hbm>>
    tpu.wait_dma2 semaphore(%arg13 : memref<!tpu.dma_semaphore, #tpu.memory_space<semaphore_mem>>) src(%arg7 : memref<1024x32xf32, #tpu.memory_space<vmem>>) dst(%dma_wait3A_312 : memref<1024x32xf32, #tpu.memory_space<hbm>>)
    %dma_wait3A_313 = arith.constant 0 : i32
    %dma_wait3A_314 = tpu.memref_slice %arg4[%add3A_293, %dma_wait3A_313] : memref<524288x32xf32, #tpu.memory_space<hbm>> -> memref<1024x32xf32, #tpu.memory_space<hbm>>
    %dma_wait3A_315 = arith.constant 0 : i32
    %dma_wait3A_316 = tpu.memref_slice %arg4[%add3A_293, %dma_wait3A_315] : memref<524288x32xf32, #tpu.memory_space<hbm>> -> memref<1024x32xf32, #tpu.memory_space<hbm>>
    tpu.wait_dma2 semaphore(%arg14 : memref<!tpu.dma_semaphore, #tpu.memory_space<semaphore_mem>>) src(%arg8 : memref<1024x32xf32, #tpu.memory_space<vmem>>) dst(%dma_wait3A_316 : memref<1024x32xf32, #tpu.memory_space<hbm>>)
    %dma_wait3A_317 = arith.constant 0 : i32
    %dma_wait3A_318 = tpu.memref_slice %arg4[%add3A_304, %dma_wait3A_317] : memref<524288x32xf32, #tpu.memory_space<hbm>> -> memref<1024x32xf32, #tpu.memory_space<hbm>>
    %dma_wait3A_319 = arith.constant 0 : i32
    %dma_wait3A_320 = tpu.memref_slice %arg4[%add3A_304, %dma_wait3A_319] : memref<524288x32xf32, #tpu.memory_space<hbm>> -> memref<1024x32xf32, #tpu.memory_space<hbm>>
    tpu.wait_dma2 semaphore(%arg12 : memref<!tpu.dma_semaphore, #tpu.memory_space<semaphore_mem>>) src(%arg6 : memref<1024x32xf32, #tpu.memory_space<vmem>>) dst(%dma_wait3A_320 : memref<1024x32xf32, #tpu.memory_space<hbm>>)
    return
  }
}

module attributes {stable_mosaic.version = 14 : i64} {
  func.func @_conv_body(%arg0: i32, %arg1: i32, %arg2: memref<1x128x16x256xf32, #tpu.memory_space<vmem>>, %arg3: memref<32x128xf32, #tpu.memory_space<vmem>>, %arg4: memref<1x32xf32, #tpu.memory_space<vmem>>, %arg5: memref<4096x32xf32, #tpu.memory_space<vmem>>) attributes {dimension_semantics = [#tpu.dimension_semantics<arbitrary>, #tpu.dimension_semantics<arbitrary>], iteration_bounds = array<i64: 2, 16>, scalar_prefetch = 0 : i64, scratch_operands = 0 : i64, tpu.core_type = #tpu.core_type<tc>, window_params = [{transform_indices = @transform_0, window_bounds = array<i64: 1, 128, 16, 256>}, {pipeline_mode = #tpu.pipeline_mode<synchronous>, transform_indices = @transform_1, window_bounds = array<i64: 32, 128>}, {pipeline_mode = #tpu.pipeline_mode<synchronous>, transform_indices = @transform_2, window_bounds = array<i64: 1, 32>}, {transform_indices = @transform_3, window_bounds = array<i64: 4096, 32>}]} {
    %get3A = arith.constant 0 : index
    %get3A_0 = arith.constant 0 : index
    %get3A_1 = arith.constant 0 : index
    %get3A_2 = arith.constant 0 : index
    %get3A_3 = vector.load %arg2[%get3A, %get3A_0, %get3A_1, %get3A_2] : memref<1x128x16x256xf32, #tpu.memory_space<vmem>>, vector<1x128x16x256xf32>
    %get3A_4 = vector.shape_cast %get3A_3 : vector<1x128x16x256xf32> to vector<128x16x256xf32>
    %reshape3A = vector.shape_cast %get3A_4 : vector<128x16x256xf32> to vector<128x4096xf32>
    %get3A_5 = arith.constant 0 : index
    %get3A_6 = arith.constant 0 : index
    %get3A_7 = vector.load %arg3[%get3A_5, %get3A_6] : memref<32x128xf32, #tpu.memory_space<vmem>>, vector<32x128xf32>
    %dot_general3A = arith.constant dense<0.000000e+00> : vector<4096x32xf32>
    %dot_general3A_8 = tpu.matmul %reshape3A, %get3A_7, %dot_general3A {dimension_numbers = #tpu.dot_dimension_numbers<[0], [1], [1], [0], [0, 1, 1, 0], [], []>, transpose_lhs_hint = false} : vector<128x4096xf32>, vector<32x128xf32>, vector<4096x32xf32> -> vector<4096x32xf32>
    %get3A_9 = arith.constant 0 : index
    %get3A_10 = arith.constant 0 : index
    %get3A_11 = vector.load %arg4[%get3A_9, %get3A_10] : memref<1x32xf32, #tpu.memory_space<vmem>>, vector<1x32xf32>
    %add3A = vector.broadcast %get3A_11 : vector<1x32xf32> to vector<4096x32xf32>
    %add3A_12 = arith.addf %dot_general3A_8, %add3A : vector<4096x32xf32>
    %swap3A = arith.constant 0 : index
    %swap3A_13 = arith.constant 0 : index
    %swap3A_14 = vector.load %arg5[%swap3A, %swap3A_13] : memref<4096x32xf32, #tpu.memory_space<vmem>>, vector<4096x32xf32>
    tpu.vector_store %arg5[%swap3A, %swap3A_13], %add3A_12 {strides = array<i32>} : memref<4096x32xf32, #tpu.memory_space<vmem>>, vector<4096x32xf32>,
    return
  }
  func.func @transform_0(%arg0: i32, %arg1: i32) -> (i32, i32, i32, i32) {
    %c0_i32 = arith.constant 0 : i32
    %c0_i32_0 = arith.constant 0 : i32
    %c0_i32_1 = arith.constant 0 : i32
    return %arg0, %c0_i32, %arg1, %c0_i32_0 : i32, i32, i32, i32
  }
  func.func @transform_1(%arg0: i32, %arg1: i32) -> (i32, i32) {
    %c0_i32 = arith.constant 0 : i32
    %c0_i32_0 = arith.constant 0 : i32
    %c0_i32_1 = arith.constant 0 : i32
    return %c0_i32, %c0_i32_0 : i32, i32
  }
  func.func @transform_2(%arg0: i32, %arg1: i32) -> (i32, i32) {
    %c0_i32 = arith.constant 0 : i32
    %c0_i32_0 = arith.constant 0 : i32
    %c0_i32_1 = arith.constant 0 : i32
    return %c0_i32, %c0_i32_0 : i32, i32
  }
  func.func @transform_3(%arg0: i32, %arg1: i32) -> (i32, i32) {
    %mul3A = arith.constant 16 : i32
    %mul3A_0 = arith.muli %arg0, %mul3A : i32
    %add3A = arith.addi %mul3A_0, %arg1 : i32
    %c0_i32 = arith.constant 0 : i32
    %c0_i32_1 = arith.constant 0 : i32
    return %add3A, %c0_i32 : i32, i32
  }
}

module attributes {stable_mosaic.version = 14 : i64} {
  func.func @_trans_body(%arg0: i32, %arg1: memref<4096x128xf32, #tpu.memory_space<vmem>>, %arg2: memref<1x1x16384xf32, #tpu.memory_space<vmem>>, %arg3: memref<1x32x4x64x64xf32, #tpu.memory_space<vmem>>) attributes {dimension_semantics = [#tpu.dimension_semantics<arbitrary>], iteration_bounds = array<i64: 32>, scalar_prefetch = 0 : i64, scratch_operands = 0 : i64, tpu.core_type = #tpu.core_type<tc>, window_params = [{transform_indices = @transform_0, window_bounds = array<i64: 4096, 128>}, {transform_indices = @transform_1, window_bounds = array<i64: 1, 1, 16384>}, {transform_indices = @transform_2, window_bounds = array<i64: 1, 32, 4, 64, 64>}]} {
    %get3A = arith.constant 0 : index
    %get3A_0 = arith.constant 0 : index
    %get3A_1 = vector.load %arg1[%get3A, %get3A_0] : memref<4096x128xf32, #tpu.memory_space<vmem>>, vector<4096x128xf32>
    %slice3A = vector.extract_strided_slice %get3A_1 {offsets = [0, 0], sizes = [4096, 32], strides = [1, 1]} : vector<4096x128xf32> to vector<4096x32xf32>
    %slice3A_2 = vector.extract_strided_slice %get3A_1 {offsets = [0, 32], sizes = [4096, 32], strides = [1, 1]} : vector<4096x128xf32> to vector<4096x32xf32>
    %slice3A_3 = vector.extract_strided_slice %get3A_1 {offsets = [0, 64], sizes = [4096, 32], strides = [1, 1]} : vector<4096x128xf32> to vector<4096x32xf32>
    %slice3A_4 = vector.extract_strided_slice %get3A_1 {offsets = [0, 96], sizes = [4096, 32], strides = [1, 1]} : vector<4096x128xf32> to vector<4096x32xf32>
    %concatenate3A = tpu.concatenate %slice3A, %slice3A_2, %slice3A_3, %slice3A_4 in 0 : vector<4096x32xf32>, vector<4096x32xf32>, vector<4096x32xf32>, vector<4096x32xf32> -> vector<16384x32xf32>
    %transpose3A = tpu.transpose %concatenate3A, [1, 0] : vector<16384x32xf32> -> vector<32x16384xf32>
    %get3A_5 = arith.constant 0 : index
    %get3A_6 = arith.constant 0 : index
    %get3A_7 = arith.constant 0 : index
    %get3A_8 = vector.load %arg2[%get3A_5, %get3A_6, %get3A_7] : memref<1x1x16384xf32, #tpu.memory_space<vmem>>, vector<1x1x16384xf32>
    %get3A_9 = vector.shape_cast %get3A_8 : vector<1x1x16384xf32> to vector<16384xf32>
    %broadcast_in_dim3A = vector.shape_cast %get3A_9 : vector<16384xf32> to vector<1x16384xf32>
    %mul3A = vector.broadcast %broadcast_in_dim3A : vector<1x16384xf32> to vector<32x16384xf32>
    %mul3A_10 = arith.mulf %transpose3A, %mul3A : vector<32x16384xf32>
    %reshape3A = vector.shape_cast %mul3A_10 : vector<32x16384xf32> to vector<1x32x4x64x64xf32>
    %swap3A = arith.constant 0 : index
    %swap3A_11 = arith.constant 0 : index
    %swap3A_12 = arith.constant 0 : index
    %swap3A_13 = arith.constant 0 : index
    %swap3A_14 = arith.constant 0 : index
    %swap3A_15 = vector.load %arg3[%swap3A, %swap3A_11, %swap3A_12, %swap3A_13, %swap3A_14] : memref<1x32x4x64x64xf32, #tpu.memory_space<vmem>>, vector<1x32x4x64x64xf32>
    tpu.vector_store %arg3[%swap3A, %swap3A_11, %swap3A_12, %swap3A_13, %swap3A_14], %reshape3A {strides = array<i32>} : memref<1x32x4x64x64xf32, #tpu.memory_space<vmem>>, vector<1x32x4x64x64xf32>,
    return
  }
  func.func @transform_0(%arg0: i32) -> (i32, i32) {
    %c0_i32 = arith.constant 0 : i32
    %c0_i32_0 = arith.constant 0 : i32
    return %arg0, %c0_i32 : i32, i32
  }
  func.func @transform_1(%arg0: i32) -> (i32, i32, i32) {
    %c0_i32 = arith.constant 0 : i32
    %c0_i32_0 = arith.constant 0 : i32
    %c0_i32_1 = arith.constant 0 : i32
    return %arg0, %c0_i32, %c0_i32_0 : i32, i32, i32
  }
  func.func @transform_2(%arg0: i32) -> (i32, i32, i32, i32, i32) {
    %jit3A = arith.constant 16 : i32
    %div3A = arith.divsi %arg0, %jit3A : i32
    %sign3A = arith.constant 0 : i32
    %sign3A_0 = arith.cmpi sgt, %arg0, %sign3A : i32
    %sign3A_1 = arith.extui %sign3A_0 : i1 to i32
    %sign3A_2 = arith.constant 0 : i32
    %sign3A_3 = arith.cmpi slt, %arg0, %sign3A_2 : i32
    %sign3A_4 = arith.extui %sign3A_3 : i1 to i32
    %sign3A_5 = arith.subi %sign3A_1, %sign3A_4 : i32
    %sign3A_6 = arith.constant 0 : i32
    %sign3A_7 = arith.cmpi sgt, %jit3A, %sign3A_6 : i32
    %sign3A_8 = arith.extui %sign3A_7 : i1 to i32
    %sign3A_9 = arith.constant 0 : i32
    %sign3A_10 = arith.cmpi slt, %jit3A, %sign3A_9 : i32
    %sign3A_11 = arith.extui %sign3A_10 : i1 to i32
    %sign3A_12 = arith.subi %sign3A_8, %sign3A_11 : i32
    %ne3A = arith.cmpi ne, %sign3A_5, %sign3A_12 : i32
    %rem3A = arith.remsi %arg0, %jit3A : i32
    %ne3A_13 = arith.constant 0 : i32
    %ne3A_14 = arith.cmpi ne, %rem3A, %ne3A_13 : i32
    %and3A = arith.andi %ne3A, %ne3A_14 : i1
    %sub3A = arith.constant 1 : i32
    %sub3A_15 = arith.subi %div3A, %sub3A : i32
    %select_n3A = arith.select %and3A, %sub3A_15, %div3A : i32
    %jit3A_16 = arith.constant 16 : i32
    %eq3A = arith.constant 0 : i32
    %eq3A_17 = arith.cmpi eq, %jit3A_16, %eq3A : i32
    %jit3A_18 = arith.constant 1 : i32
    %select_n3A_19 = arith.select %eq3A_17, %jit3A_18, %jit3A_16 : i32
    %rem3A_20 = arith.remsi %arg0, %select_n3A_19 : i32
    %ne3A_21 = arith.constant 0 : i32
    %ne3A_22 = arith.cmpi ne, %rem3A_20, %ne3A_21 : i32
    %lt3A = arith.constant 0 : i32
    %lt3A_23 = arith.cmpi slt, %rem3A_20, %lt3A : i32
    %lt3A_24 = arith.constant 0 : i32
    %lt3A_25 = arith.cmpi slt, %select_n3A_19, %lt3A_24 : i32
    %ne3A_26 = arith.xori %lt3A_23, %lt3A_25 : i1
    %and3A_27 = arith.andi %ne3A_26, %ne3A_22 : i1
    %add3A = arith.addi %rem3A_20, %select_n3A_19 : i32
    %select_n3A_28 = arith.select %and3A_27, %add3A, %rem3A_20 : i32
    %c0_i32 = arith.constant 0 : i32
    %c0_i32_29 = arith.constant 0 : i32
    %c0_i32_30 = arith.constant 0 : i32
    %c0_i32_31 = arith.constant 0 : i32
    return %select_n3A, %c0_i32, %select_n3A_28, %c0_i32_29, %c0_i32_30 : i32, i32, i32, i32, i32
  }
}

module attributes {stable_mosaic.version = 14 : i64} {
  func.func @_index_body(%arg0: i32, %arg1: memref<2x4x4xf32, #tpu.memory_space<smem>>, %arg2: memref<2x3xf32, #tpu.memory_space<smem>>, %arg3: memref<1x2048x128xi32, #tpu.memory_space<vmem>>, %arg4: memref<1x2048x128xf32, #tpu.memory_space<vmem>>) attributes {dimension_semantics = [#tpu.dimension_semantics<arbitrary>], iteration_bounds = array<i64: 2>, scalar_prefetch = 0 : i64, scratch_operands = 0 : i64, tpu.core_type = #tpu.core_type<tc>, window_params = [{transform_indices = @transform_0, window_bounds = array<i64: 2, 4, 4>}, {transform_indices = @transform_1, window_bounds = array<i64: 2, 3>}, {transform_indices = @transform_2, window_bounds = array<i64: 1, 2048, 128>}, {transform_indices = @transform_3, window_bounds = array<i64: 1, 2048, 128>}]} {
    %iota3A = tpu.iota {dimensions = array<i32: 0>} : vector<2048x128xi32>
    %iota3A_0 = tpu.iota {dimensions = array<i32: 1>} : vector<2048x128xi32>
    %mul3A = arith.constant 128 : i32
    %mul3A_1 = vector.broadcast %mul3A : i32 to vector<2048x128xi32>
    %mul3A_2 = arith.muli %iota3A, %mul3A_1 : vector<2048x128xi32>
    %add3A = arith.addi %mul3A_2, %iota3A_0 : vector<2048x128xi32>
    %and3A = arith.constant -16384 : i32
    %and3A_3 = vector.broadcast %and3A : i32 to vector<2048x128xi32>
    %and3A_4 = arith.andi %add3A, %and3A_3 : vector<2048x128xi32>
    %and3A_5 = arith.constant 3 : i32
    %and3A_6 = vector.broadcast %and3A_5 : i32 to vector<2048x128xi32>
    %and3A_7 = arith.andi %add3A, %and3A_6 : vector<2048x128xi32>
    %mul3A_8 = arith.constant 4096 : i32
    %mul3A_9 = vector.broadcast %mul3A_8 : i32 to vector<2048x128xi32>
    %mul3A_10 = arith.muli %and3A_7, %mul3A_9 : vector<2048x128xi32>
    %add3A_11 = arith.addi %and3A_4, %mul3A_10 : vector<2048x128xi32>
    %shift_right_logical3A = arith.constant 2 : i32
    %shift_right_logical3A_12 = vector.broadcast %shift_right_logical3A : i32 to vector<2048x128xi32>
    %shift_right_logical3A_13 = arith.shrui %add3A, %shift_right_logical3A_12 : vector<2048x128xi32>
    %and3A_14 = arith.constant 4095 : i32
    %and3A_15 = vector.broadcast %and3A_14 : i32 to vector<2048x128xi32>
    %and3A_16 = arith.andi %shift_right_logical3A_13, %and3A_15 : vector<2048x128xi32>
    %add3A_17 = arith.addi %add3A_11, %and3A_16 : vector<2048x128xi32>
    %shift_right_logical3A_18 = arith.constant 12 : i32
    %shift_right_logical3A_19 = vector.broadcast %shift_right_logical3A_18 : i32 to vector<2048x128xi32>
    %shift_right_logical3A_20 = arith.shrui %add3A_17, %shift_right_logical3A_19 : vector<2048x128xi32>
    %convert_element_type3A = arith.sitofp %shift_right_logical3A_20 : vector<2048x128xi32> to vector<2048x128xf32>
    %shift_right_logical3A_21 = arith.constant 6 : i32
    %shift_right_logical3A_22 = vector.broadcast %shift_right_logical3A_21 : i32 to vector<2048x128xi32>
    %shift_right_logical3A_23 = arith.shrui %add3A_17, %shift_right_logical3A_22 : vector<2048x128xi32>
    %and3A_24 = arith.constant 63 : i32
    %and3A_25 = vector.broadcast %and3A_24 : i32 to vector<2048x128xi32>
    %and3A_26 = arith.andi %shift_right_logical3A_23, %and3A_25 : vector<2048x128xi32>
    %convert_element_type3A_27 = arith.sitofp %and3A_26 : vector<2048x128xi32> to vector<2048x128xf32>
    %and3A_28 = arith.constant 63 : i32
    %and3A_29 = vector.broadcast %and3A_28 : i32 to vector<2048x128xi32>
    %and3A_30 = arith.andi %add3A_17, %and3A_29 : vector<2048x128xi32>
    %convert_element_type3A_31 = arith.sitofp %and3A_30 : vector<2048x128xi32> to vector<2048x128xf32>
    %get3A = arith.index_cast %arg0 : i32 to index
    %get3A_32 = arith.constant 0 : index
    %get3A_33 = memref.load %arg2[%get3A, %get3A_32] : memref<2x3xf32, #tpu.memory_space<smem>>
    %add3A_34 = vector.broadcast %get3A_33 : f32 to vector<2048x128xf32>
    %add3A_35 = arith.addf %convert_element_type3A_31, %add3A_34 : vector<2048x128xf32>
    %convert_element_type3A_36 = arith.truncf %add3A_35 : vector<2048x128xf32> to vector<2048x128xbf16>
    %convert_element_type3A_37 = arith.extf %convert_element_type3A_36 : vector<2048x128xbf16> to vector<2048x128xf32>
    %get3A_38 = arith.index_cast %arg0 : i32 to index
    %get3A_39 = arith.constant 1 : index
    %get3A_40 = memref.load %arg2[%get3A_38, %get3A_39] : memref<2x3xf32, #tpu.memory_space<smem>>
    %add3A_41 = vector.broadcast %get3A_40 : f32 to vector<2048x128xf32>
    %add3A_42 = arith.addf %convert_element_type3A_27, %add3A_41 : vector<2048x128xf32>
    %convert_element_type3A_43 = arith.truncf %add3A_42 : vector<2048x128xf32> to vector<2048x128xbf16>
    %convert_element_type3A_44 = arith.extf %convert_element_type3A_43 : vector<2048x128xbf16> to vector<2048x128xf32>
    %get3A_45 = arith.index_cast %arg0 : i32 to index
    %get3A_46 = arith.constant 2 : index
    %get3A_47 = memref.load %arg2[%get3A_45, %get3A_46] : memref<2x3xf32, #tpu.memory_space<smem>>
    %add3A_48 = vector.broadcast %get3A_47 : f32 to vector<2048x128xf32>
    %add3A_49 = arith.addf %convert_element_type3A, %add3A_48 : vector<2048x128xf32>
    %convert_element_type3A_50 = arith.truncf %add3A_49 : vector<2048x128xf32> to vector<2048x128xbf16>
    %convert_element_type3A_51 = arith.extf %convert_element_type3A_50 : vector<2048x128xbf16> to vector<2048x128xf32>
    %get3A_52 = arith.index_cast %arg0 : i32 to index
    %get3A_53 = arith.constant 0 : index
    %get3A_54 = arith.constant 0 : index
    %get3A_55 = memref.load %arg1[%get3A_52, %get3A_53, %get3A_54] : memref<2x4x4xf32, #tpu.memory_space<smem>>
    %convert_element_type3A_56 = arith.truncf %get3A_55 : f32 to bf16
    %convert_element_type3A_57 = arith.extf %convert_element_type3A_56 : bf16 to f32
    %mul3A_58 = vector.broadcast %convert_element_type3A_57 : f32 to vector<2048x128xf32>
    %mul3A_59 = arith.mulf %mul3A_58, %convert_element_type3A_37 : vector<2048x128xf32>
    %get3A_60 = arith.index_cast %arg0 : i32 to index
    %get3A_61 = arith.constant 0 : index
    %get3A_62 = arith.constant 1 : index
    %get3A_63 = memref.load %arg1[%get3A_60, %get3A_61, %get3A_62] : memref<2x4x4xf32, #tpu.memory_space<smem>>
    %convert_element_type3A_64 = arith.truncf %get3A_63 : f32 to bf16
    %convert_element_type3A_65 = arith.extf %convert_element_type3A_64 : bf16 to f32
    %mul3A_66 = vector.broadcast %convert_element_type3A_65 : f32 to vector<2048x128xf32>
    %mul3A_67 = arith.mulf %mul3A_66, %convert_element_type3A_44 : vector<2048x128xf32>
    %add3A_68 = arith.addf %mul3A_59, %mul3A_67 : vector<2048x128xf32>
    %get3A_69 = arith.index_cast %arg0 : i32 to index
    %get3A_70 = arith.constant 0 : index
    %get3A_71 = arith.constant 2 : index
    %get3A_72 = memref.load %arg1[%get3A_69, %get3A_70, %get3A_71] : memref<2x4x4xf32, #tpu.memory_space<smem>>
    %convert_element_type3A_73 = arith.truncf %get3A_72 : f32 to bf16
    %convert_element_type3A_74 = arith.extf %convert_element_type3A_73 : bf16 to f32
    %mul3A_75 = vector.broadcast %convert_element_type3A_74 : f32 to vector<2048x128xf32>
    %mul3A_76 = arith.mulf %mul3A_75, %convert_element_type3A_51 : vector<2048x128xf32>
    %add3A_77 = arith.addf %add3A_68, %mul3A_76 : vector<2048x128xf32>
    %get3A_78 = arith.index_cast %arg0 : i32 to index
    %get3A_79 = arith.constant 0 : index
    %get3A_80 = arith.constant 3 : index
    %get3A_81 = memref.load %arg1[%get3A_78, %get3A_79, %get3A_80] : memref<2x4x4xf32, #tpu.memory_space<smem>>
    %convert_element_type3A_82 = arith.truncf %get3A_81 : f32 to bf16
    %convert_element_type3A_83 = arith.extf %convert_element_type3A_82 : bf16 to f32
    %add3A_84 = vector.broadcast %convert_element_type3A_83 : f32 to vector<2048x128xf32>
    %add3A_85 = arith.addf %add3A_77, %add3A_84 : vector<2048x128xf32>
    %get3A_86 = arith.index_cast %arg0 : i32 to index
    %get3A_87 = arith.constant 1 : index
    %get3A_88 = arith.constant 0 : index
    %get3A_89 = memref.load %arg1[%get3A_86, %get3A_87, %get3A_88] : memref<2x4x4xf32, #tpu.memory_space<smem>>
    %convert_element_type3A_90 = arith.truncf %get3A_89 : f32 to bf16
    %convert_element_type3A_91 = arith.extf %convert_element_type3A_90 : bf16 to f32
    %mul3A_92 = vector.broadcast %convert_element_type3A_91 : f32 to vector<2048x128xf32>
    %mul3A_93 = arith.mulf %mul3A_92, %convert_element_type3A_37 : vector<2048x128xf32>
    %get3A_94 = arith.index_cast %arg0 : i32 to index
    %get3A_95 = arith.constant 1 : index
    %get3A_96 = arith.constant 1 : index
    %get3A_97 = memref.load %arg1[%get3A_94, %get3A_95, %get3A_96] : memref<2x4x4xf32, #tpu.memory_space<smem>>
    %convert_element_type3A_98 = arith.truncf %get3A_97 : f32 to bf16
    %convert_element_type3A_99 = arith.extf %convert_element_type3A_98 : bf16 to f32
    %mul3A_100 = vector.broadcast %convert_element_type3A_99 : f32 to vector<2048x128xf32>
    %mul3A_101 = arith.mulf %mul3A_100, %convert_element_type3A_44 : vector<2048x128xf32>
    %add3A_102 = arith.addf %mul3A_93, %mul3A_101 : vector<2048x128xf32>
    %get3A_103 = arith.index_cast %arg0 : i32 to index
    %get3A_104 = arith.constant 1 : index
    %get3A_105 = arith.constant 2 : index
    %get3A_106 = memref.load %arg1[%get3A_103, %get3A_104, %get3A_105] : memref<2x4x4xf32, #tpu.memory_space<smem>>
    %convert_element_type3A_107 = arith.truncf %get3A_106 : f32 to bf16
    %convert_element_type3A_108 = arith.extf %convert_element_type3A_107 : bf16 to f32
    %mul3A_109 = vector.broadcast %convert_element_type3A_108 : f32 to vector<2048x128xf32>
    %mul3A_110 = arith.mulf %mul3A_109, %convert_element_type3A_51 : vector<2048x128xf32>
    %add3A_111 = arith.addf %add3A_102, %mul3A_110 : vector<2048x128xf32>
    %get3A_112 = arith.index_cast %arg0 : i32 to index
    %get3A_113 = arith.constant 1 : index
    %get3A_114 = arith.constant 3 : index
    %get3A_115 = memref.load %arg1[%get3A_112, %get3A_113, %get3A_114] : memref<2x4x4xf32, #tpu.memory_space<smem>>
    %convert_element_type3A_116 = arith.truncf %get3A_115 : f32 to bf16
    %convert_element_type3A_117 = arith.extf %convert_element_type3A_116 : bf16 to f32
    %add3A_118 = vector.broadcast %convert_element_type3A_117 : f32 to vector<2048x128xf32>
    %add3A_119 = arith.addf %add3A_111, %add3A_118 : vector<2048x128xf32>
    %get3A_120 = arith.index_cast %arg0 : i32 to index
    %get3A_121 = arith.constant 2 : index
    %get3A_122 = arith.constant 0 : index
    %get3A_123 = memref.load %arg1[%get3A_120, %get3A_121, %get3A_122] : memref<2x4x4xf32, #tpu.memory_space<smem>>
    %convert_element_type3A_124 = arith.truncf %get3A_123 : f32 to bf16
    %convert_element_type3A_125 = arith.extf %convert_element_type3A_124 : bf16 to f32
    %mul3A_126 = vector.broadcast %convert_element_type3A_125 : f32 to vector<2048x128xf32>
    %mul3A_127 = arith.mulf %mul3A_126, %convert_element_type3A_37 : vector<2048x128xf32>
    %get3A_128 = arith.index_cast %arg0 : i32 to index
    %get3A_129 = arith.constant 2 : index
    %get3A_130 = arith.constant 1 : index
    %get3A_131 = memref.load %arg1[%get3A_128, %get3A_129, %get3A_130] : memref<2x4x4xf32, #tpu.memory_space<smem>>
    %convert_element_type3A_132 = arith.truncf %get3A_131 : f32 to bf16
    %convert_element_type3A_133 = arith.extf %convert_element_type3A_132 : bf16 to f32
    %mul3A_134 = vector.broadcast %convert_element_type3A_133 : f32 to vector<2048x128xf32>
    %mul3A_135 = arith.mulf %mul3A_134, %convert_element_type3A_44 : vector<2048x128xf32>
    %add3A_136 = arith.addf %mul3A_127, %mul3A_135 : vector<2048x128xf32>
    %get3A_137 = arith.index_cast %arg0 : i32 to index
    %get3A_138 = arith.constant 2 : index
    %get3A_139 = arith.constant 2 : index
    %get3A_140 = memref.load %arg1[%get3A_137, %get3A_138, %get3A_139] : memref<2x4x4xf32, #tpu.memory_space<smem>>
    %convert_element_type3A_141 = arith.truncf %get3A_140 : f32 to bf16
    %convert_element_type3A_142 = arith.extf %convert_element_type3A_141 : bf16 to f32
    %mul3A_143 = vector.broadcast %convert_element_type3A_142 : f32 to vector<2048x128xf32>
    %mul3A_144 = arith.mulf %mul3A_143, %convert_element_type3A_51 : vector<2048x128xf32>
    %add3A_145 = arith.addf %add3A_136, %mul3A_144 : vector<2048x128xf32>
    %get3A_146 = arith.index_cast %arg0 : i32 to index
    %get3A_147 = arith.constant 2 : index
    %get3A_148 = arith.constant 3 : index
    %get3A_149 = memref.load %arg1[%get3A_146, %get3A_147, %get3A_148] : memref<2x4x4xf32, #tpu.memory_space<smem>>
    %convert_element_type3A_150 = arith.truncf %get3A_149 : f32 to bf16
    %convert_element_type3A_151 = arith.extf %convert_element_type3A_150 : bf16 to f32
    %add3A_152 = vector.broadcast %convert_element_type3A_151 : f32 to vector<2048x128xf32>
    %add3A_153 = arith.addf %add3A_145, %add3A_152 : vector<2048x128xf32>
    %get3A_154 = arith.index_cast %arg0 : i32 to index
    %get3A_155 = arith.constant 3 : index
    %get3A_156 = arith.constant 0 : index
    %get3A_157 = memref.load %arg1[%get3A_154, %get3A_155, %get3A_156] : memref<2x4x4xf32, #tpu.memory_space<smem>>
    %convert_element_type3A_158 = arith.truncf %get3A_157 : f32 to bf16
    %convert_element_type3A_159 = arith.extf %convert_element_type3A_158 : bf16 to f32
    %mul3A_160 = vector.broadcast %convert_element_type3A_159 : f32 to vector<2048x128xf32>
    %mul3A_161 = arith.mulf %mul3A_160, %convert_element_type3A_37 : vector<2048x128xf32>
    %get3A_162 = arith.index_cast %arg0 : i32 to index
    %get3A_163 = arith.constant 3 : index
    %get3A_164 = arith.constant 1 : index
    %get3A_165 = memref.load %arg1[%get3A_162, %get3A_163, %get3A_164] : memref<2x4x4xf32, #tpu.memory_space<smem>>
    %convert_element_type3A_166 = arith.truncf %get3A_165 : f32 to bf16
    %convert_element_type3A_167 = arith.extf %convert_element_type3A_166 : bf16 to f32
    %mul3A_168 = vector.broadcast %convert_element_type3A_167 : f32 to vector<2048x128xf32>
    %mul3A_169 = arith.mulf %mul3A_168, %convert_element_type3A_44 : vector<2048x128xf32>
    %add3A_170 = arith.addf %mul3A_161, %mul3A_169 : vector<2048x128xf32>
    %get3A_171 = arith.index_cast %arg0 : i32 to index
    %get3A_172 = arith.constant 3 : index
    %get3A_173 = arith.constant 2 : index
    %get3A_174 = memref.load %arg1[%get3A_171, %get3A_172, %get3A_173] : memref<2x4x4xf32, #tpu.memory_space<smem>>
    %convert_element_type3A_175 = arith.truncf %get3A_174 : f32 to bf16
    %convert_element_type3A_176 = arith.extf %convert_element_type3A_175 : bf16 to f32
    %mul3A_177 = vector.broadcast %convert_element_type3A_176 : f32 to vector<2048x128xf32>
    %mul3A_178 = arith.mulf %mul3A_177, %convert_element_type3A_51 : vector<2048x128xf32>
    %add3A_179 = arith.addf %add3A_170, %mul3A_178 : vector<2048x128xf32>
    %get3A_180 = arith.index_cast %arg0 : i32 to index
    %get3A_181 = arith.constant 3 : index
    %get3A_182 = arith.constant 3 : index
    %get3A_183 = memref.load %arg1[%get3A_180, %get3A_181, %get3A_182] : memref<2x4x4xf32, #tpu.memory_space<smem>>
    %convert_element_type3A_184 = arith.truncf %get3A_183 : f32 to bf16
    %convert_element_type3A_185 = arith.extf %convert_element_type3A_184 : bf16 to f32
    %add3A_186 = vector.broadcast %convert_element_type3A_185 : f32 to vector<2048x128xf32>
    %add3A_187 = arith.addf %add3A_179, %add3A_186 : vector<2048x128xf32>
    %div3A = arith.divf %add3A_85, %add3A_187 : vector<2048x128xf32>
    %div3A_188 = arith.constant 2.000000e+00 : f32
    %div3A_189 = vector.broadcast %div3A_188 : f32 to vector<2048x128xf32>
    %div3A_190 = arith.divf %div3A, %div3A_189 : vector<2048x128xf32>
    %add3A_191 = arith.constant 5.000000e-01 : f32
    %add3A_192 = vector.broadcast %add3A_191 : f32 to vector<2048x128xf32>
    %add3A_193 = arith.addf %div3A_190, %add3A_192 : vector<2048x128xf32>
    %mul3A_194 = arith.constant 2.560000e+02 : f32
    %mul3A_195 = vector.broadcast %mul3A_194 : f32 to vector<2048x128xf32>
    %mul3A_196 = arith.mulf %add3A_193, %mul3A_195 : vector<2048x128xf32>
    %div3A_197 = arith.divf %add3A_119, %add3A_187 : vector<2048x128xf32>
    %div3A_198 = arith.constant 2.000000e+00 : f32
    %div3A_199 = vector.broadcast %div3A_198 : f32 to vector<2048x128xf32>
    %div3A_200 = arith.divf %div3A_197, %div3A_199 : vector<2048x128xf32>
    %add3A_201 = arith.constant 5.000000e-01 : f32
    %add3A_202 = vector.broadcast %add3A_201 : f32 to vector<2048x128xf32>
    %add3A_203 = arith.addf %div3A_200, %add3A_202 : vector<2048x128xf32>
    %mul3A_204 = arith.constant 2.560000e+02 : f32
    %mul3A_205 = vector.broadcast %mul3A_204 : f32 to vector<2048x128xf32>
    %mul3A_206 = arith.mulf %add3A_203, %mul3A_205 : vector<2048x128xf32>
    %convert_element_type3A_207 = arith.fptosi %mul3A_196 : vector<2048x128xf32> to vector<2048x128xi32>
    %convert_element_type3A_208 = arith.fptosi %mul3A_206 : vector<2048x128xf32> to vector<2048x128xi32>
    %ge3A = arith.constant 0.000000e+00 : f32
    %ge3A_209 = vector.broadcast %ge3A : f32 to vector<2048x128xf32>
    %ge3A_210 = arith.cmpf oge, %add3A_153, %ge3A_209 : vector<2048x128xf32>
    %ge3A_211 = arith.constant 0 : i32
    %ge3A_212 = vector.broadcast %ge3A_211 : i32 to vector<2048x128xi32>
    %ge3A_213 = arith.cmpi sge, %convert_element_type3A_207, %ge3A_212 : vector<2048x128xi32>
    %and3A_214 = arith.andi %ge3A_210, %ge3A_213 : vector<2048x128xi1>
    %lt3A = arith.constant 256 : i32
    %lt3A_215 = vector.broadcast %lt3A : i32 to vector<2048x128xi32>
    %lt3A_216 = arith.cmpi slt, %convert_element_type3A_207, %lt3A_215 : vector<2048x128xi32>
    %and3A_217 = arith.andi %and3A_214, %lt3A_216 : vector<2048x128xi1>
    %ge3A_218 = arith.constant 0 : i32
    %ge3A_219 = vector.broadcast %ge3A_218 : i32 to vector<2048x128xi32>
    %ge3A_220 = arith.cmpi sge, %convert_element_type3A_208, %ge3A_219 : vector<2048x128xi32>
    %and3A_221 = arith.andi %and3A_217, %ge3A_220 : vector<2048x128xi1>
    %lt3A_222 = arith.constant 256 : i32
    %lt3A_223 = vector.broadcast %lt3A_222 : i32 to vector<2048x128xi32>
    %lt3A_224 = arith.cmpi slt, %convert_element_type3A_208, %lt3A_223 : vector<2048x128xi32>
    %and3A_225 = arith.andi %and3A_221, %lt3A_224 : vector<2048x128xi1>
    %mul3A_226 = arith.constant 256 : i32
    %mul3A_227 = vector.broadcast %mul3A_226 : i32 to vector<2048x128xi32>
    %mul3A_228 = arith.muli %convert_element_type3A_208, %mul3A_227 : vector<2048x128xi32>
    %add3A_229 = arith.addi %mul3A_228, %convert_element_type3A_207 : vector<2048x128xi32>
    %and3A_230 = arith.constant 65535 : i32
    %and3A_231 = vector.broadcast %and3A_230 : i32 to vector<2048x128xi32>
    %and3A_232 = arith.andi %add3A_17, %and3A_231 : vector<2048x128xi32>
    %select_n3A = arith.select %and3A_225, %add3A_229, %and3A_232 : vector<2048x128xi1>, vector<2048x128xi32>
    %mul3A_233 = arith.constant 65536 : i32
    %mul3A_234 = arith.muli %arg0, %mul3A_233 : i32
    %add3A_235 = vector.broadcast %mul3A_234 : i32 to vector<2048x128xi32>
    %add3A_236 = arith.addi %select_n3A, %add3A_235 : vector<2048x128xi32>
    %swap3A = arith.constant 0 : index
    %swap3A_237 = arith.constant 0 : index
    %swap3A_238 = arith.constant 0 : index
    %swap3A_239 = vector.load %arg3[%swap3A, %swap3A_237, %swap3A_238] : memref<1x2048x128xi32, #tpu.memory_space<vmem>>, vector<1x2048x128xi32>
    %swap3A_240 = vector.shape_cast %swap3A_239 : vector<1x2048x128xi32> to vector<2048x128xi32>
    %swap3A_241 = vector.shape_cast %add3A_236 : vector<2048x128xi32> to vector<1x2048x128xi32>
    tpu.vector_store %arg3[%swap3A, %swap3A_237, %swap3A_238], %swap3A_241 {strides = array<i32>} : memref<1x2048x128xi32, #tpu.memory_space<vmem>>, vector<1x2048x128xi32>,
    %shift_right_logical3A_242 = arith.constant 12 : i32
    %shift_right_logical3A_243 = vector.broadcast %shift_right_logical3A_242 : i32 to vector<2048x128xi32>
    %shift_right_logical3A_244 = arith.shrui %add3A, %shift_right_logical3A_243 : vector<2048x128xi32>
    %convert_element_type3A_245 = arith.sitofp %shift_right_logical3A_244 : vector<2048x128xi32> to vector<2048x128xf32>
    %shift_right_logical3A_246 = arith.constant 6 : i32
    %shift_right_logical3A_247 = vector.broadcast %shift_right_logical3A_246 : i32 to vector<2048x128xi32>
    %shift_right_logical3A_248 = arith.shrui %add3A, %shift_right_logical3A_247 : vector<2048x128xi32>
    %and3A_249 = arith.constant 63 : i32
    %and3A_250 = vector.broadcast %and3A_249 : i32 to vector<2048x128xi32>
    %and3A_251 = arith.andi %shift_right_logical3A_248, %and3A_250 : vector<2048x128xi32>
    %convert_element_type3A_252 = arith.sitofp %and3A_251 : vector<2048x128xi32> to vector<2048x128xf32>
    %and3A_253 = arith.constant 63 : i32
    %and3A_254 = vector.broadcast %and3A_253 : i32 to vector<2048x128xi32>
    %and3A_255 = arith.andi %add3A, %and3A_254 : vector<2048x128xi32>
    %convert_element_type3A_256 = arith.sitofp %and3A_255 : vector<2048x128xi32> to vector<2048x128xf32>
    %get3A_257 = arith.index_cast %arg0 : i32 to index
    %get3A_258 = arith.constant 0 : index
    %get3A_259 = memref.load %arg2[%get3A_257, %get3A_258] : memref<2x3xf32, #tpu.memory_space<smem>>
    %add3A_260 = vector.broadcast %get3A_259 : f32 to vector<2048x128xf32>
    %add3A_261 = arith.addf %convert_element_type3A_256, %add3A_260 : vector<2048x128xf32>
    %convert_element_type3A_262 = arith.truncf %add3A_261 : vector<2048x128xf32> to vector<2048x128xbf16>
    %convert_element_type3A_263 = arith.extf %convert_element_type3A_262 : vector<2048x128xbf16> to vector<2048x128xf32>
    %get3A_264 = arith.index_cast %arg0 : i32 to index
    %get3A_265 = arith.constant 1 : index
    %get3A_266 = memref.load %arg2[%get3A_264, %get3A_265] : memref<2x3xf32, #tpu.memory_space<smem>>
    %add3A_267 = vector.broadcast %get3A_266 : f32 to vector<2048x128xf32>
    %add3A_268 = arith.addf %convert_element_type3A_252, %add3A_267 : vector<2048x128xf32>
    %convert_element_type3A_269 = arith.truncf %add3A_268 : vector<2048x128xf32> to vector<2048x128xbf16>
    %convert_element_type3A_270 = arith.extf %convert_element_type3A_269 : vector<2048x128xbf16> to vector<2048x128xf32>
    %get3A_271 = arith.index_cast %arg0 : i32 to index
    %get3A_272 = arith.constant 2 : index
    %get3A_273 = memref.load %arg2[%get3A_271, %get3A_272] : memref<2x3xf32, #tpu.memory_space<smem>>
    %add3A_274 = vector.broadcast %get3A_273 : f32 to vector<2048x128xf32>
    %add3A_275 = arith.addf %convert_element_type3A_245, %add3A_274 : vector<2048x128xf32>
    %convert_element_type3A_276 = arith.truncf %add3A_275 : vector<2048x128xf32> to vector<2048x128xbf16>
    %convert_element_type3A_277 = arith.extf %convert_element_type3A_276 : vector<2048x128xbf16> to vector<2048x128xf32>
    %get3A_278 = arith.index_cast %arg0 : i32 to index
    %get3A_279 = arith.constant 0 : index
    %get3A_280 = arith.constant 0 : index
    %get3A_281 = memref.load %arg1[%get3A_278, %get3A_279, %get3A_280] : memref<2x4x4xf32, #tpu.memory_space<smem>>
    %convert_element_type3A_282 = arith.truncf %get3A_281 : f32 to bf16
    %convert_element_type3A_283 = arith.extf %convert_element_type3A_282 : bf16 to f32
    %mul3A_284 = vector.broadcast %convert_element_type3A_283 : f32 to vector<2048x128xf32>
    %mul3A_285 = arith.mulf %mul3A_284, %convert_element_type3A_263 : vector<2048x128xf32>
    %get3A_286 = arith.index_cast %arg0 : i32 to index
    %get3A_287 = arith.constant 0 : index
    %get3A_288 = arith.constant 1 : index
    %get3A_289 = memref.load %arg1[%get3A_286, %get3A_287, %get3A_288] : memref<2x4x4xf32, #tpu.memory_space<smem>>
    %convert_element_type3A_290 = arith.truncf %get3A_289 : f32 to bf16
    %convert_element_type3A_291 = arith.extf %convert_element_type3A_290 : bf16 to f32
    %mul3A_292 = vector.broadcast %convert_element_type3A_291 : f32 to vector<2048x128xf32>
    %mul3A_293 = arith.mulf %mul3A_292, %convert_element_type3A_270 : vector<2048x128xf32>
    %add3A_294 = arith.addf %mul3A_285, %mul3A_293 : vector<2048x128xf32>
    %get3A_295 = arith.index_cast %arg0 : i32 to index
    %get3A_296 = arith.constant 0 : index
    %get3A_297 = arith.constant 2 : index
    %get3A_298 = memref.load %arg1[%get3A_295, %get3A_296, %get3A_297] : memref<2x4x4xf32, #tpu.memory_space<smem>>
    %convert_element_type3A_299 = arith.truncf %get3A_298 : f32 to bf16
    %convert_element_type3A_300 = arith.extf %convert_element_type3A_299 : bf16 to f32
    %mul3A_301 = vector.broadcast %convert_element_type3A_300 : f32 to vector<2048x128xf32>
    %mul3A_302 = arith.mulf %mul3A_301, %convert_element_type3A_277 : vector<2048x128xf32>
    %add3A_303 = arith.addf %add3A_294, %mul3A_302 : vector<2048x128xf32>
    %get3A_304 = arith.index_cast %arg0 : i32 to index
    %get3A_305 = arith.constant 0 : index
    %get3A_306 = arith.constant 3 : index
    %get3A_307 = memref.load %arg1[%get3A_304, %get3A_305, %get3A_306] : memref<2x4x4xf32, #tpu.memory_space<smem>>
    %convert_element_type3A_308 = arith.truncf %get3A_307 : f32 to bf16
    %convert_element_type3A_309 = arith.extf %convert_element_type3A_308 : bf16 to f32
    %add3A_310 = vector.broadcast %convert_element_type3A_309 : f32 to vector<2048x128xf32>
    %add3A_311 = arith.addf %add3A_303, %add3A_310 : vector<2048x128xf32>
    %get3A_312 = arith.index_cast %arg0 : i32 to index
    %get3A_313 = arith.constant 1 : index
    %get3A_314 = arith.constant 0 : index
    %get3A_315 = memref.load %arg1[%get3A_312, %get3A_313, %get3A_314] : memref<2x4x4xf32, #tpu.memory_space<smem>>
    %convert_element_type3A_316 = arith.truncf %get3A_315 : f32 to bf16
    %convert_element_type3A_317 = arith.extf %convert_element_type3A_316 : bf16 to f32
    %mul3A_318 = vector.broadcast %convert_element_type3A_317 : f32 to vector<2048x128xf32>
    %mul3A_319 = arith.mulf %mul3A_318, %convert_element_type3A_263 : vector<2048x128xf32>
    %get3A_320 = arith.index_cast %arg0 : i32 to index
    %get3A_321 = arith.constant 1 : index
    %get3A_322 = arith.constant 1 : index
    %get3A_323 = memref.load %arg1[%get3A_320, %get3A_321, %get3A_322] : memref<2x4x4xf32, #tpu.memory_space<smem>>
    %convert_element_type3A_324 = arith.truncf %get3A_323 : f32 to bf16
    %convert_element_type3A_325 = arith.extf %convert_element_type3A_324 : bf16 to f32
    %mul3A_326 = vector.broadcast %convert_element_type3A_325 : f32 to vector<2048x128xf32>
    %mul3A_327 = arith.mulf %mul3A_326, %convert_element_type3A_270 : vector<2048x128xf32>
    %add3A_328 = arith.addf %mul3A_319, %mul3A_327 : vector<2048x128xf32>
    %get3A_329 = arith.index_cast %arg0 : i32 to index
    %get3A_330 = arith.constant 1 : index
    %get3A_331 = arith.constant 2 : index
    %get3A_332 = memref.load %arg1[%get3A_329, %get3A_330, %get3A_331] : memref<2x4x4xf32, #tpu.memory_space<smem>>
    %convert_element_type3A_333 = arith.truncf %get3A_332 : f32 to bf16
    %convert_element_type3A_334 = arith.extf %convert_element_type3A_333 : bf16 to f32
    %mul3A_335 = vector.broadcast %convert_element_type3A_334 : f32 to vector<2048x128xf32>
    %mul3A_336 = arith.mulf %mul3A_335, %convert_element_type3A_277 : vector<2048x128xf32>
    %add3A_337 = arith.addf %add3A_328, %mul3A_336 : vector<2048x128xf32>
    %get3A_338 = arith.index_cast %arg0 : i32 to index
    %get3A_339 = arith.constant 1 : index
    %get3A_340 = arith.constant 3 : index
    %get3A_341 = memref.load %arg1[%get3A_338, %get3A_339, %get3A_340] : memref<2x4x4xf32, #tpu.memory_space<smem>>
    %convert_element_type3A_342 = arith.truncf %get3A_341 : f32 to bf16
    %convert_element_type3A_343 = arith.extf %convert_element_type3A_342 : bf16 to f32
    %add3A_344 = vector.broadcast %convert_element_type3A_343 : f32 to vector<2048x128xf32>
    %add3A_345 = arith.addf %add3A_337, %add3A_344 : vector<2048x128xf32>
    %get3A_346 = arith.index_cast %arg0 : i32 to index
    %get3A_347 = arith.constant 2 : index
    %get3A_348 = arith.constant 0 : index
    %get3A_349 = memref.load %arg1[%get3A_346, %get3A_347, %get3A_348] : memref<2x4x4xf32, #tpu.memory_space<smem>>
    %convert_element_type3A_350 = arith.truncf %get3A_349 : f32 to bf16
    %convert_element_type3A_351 = arith.extf %convert_element_type3A_350 : bf16 to f32
    %mul3A_352 = vector.broadcast %convert_element_type3A_351 : f32 to vector<2048x128xf32>
    %mul3A_353 = arith.mulf %mul3A_352, %convert_element_type3A_263 : vector<2048x128xf32>
    %get3A_354 = arith.index_cast %arg0 : i32 to index
    %get3A_355 = arith.constant 2 : index
    %get3A_356 = arith.constant 1 : index
    %get3A_357 = memref.load %arg1[%get3A_354, %get3A_355, %get3A_356] : memref<2x4x4xf32, #tpu.memory_space<smem>>
    %convert_element_type3A_358 = arith.truncf %get3A_357 : f32 to bf16
    %convert_element_type3A_359 = arith.extf %convert_element_type3A_358 : bf16 to f32
    %mul3A_360 = vector.broadcast %convert_element_type3A_359 : f32 to vector<2048x128xf32>
    %mul3A_361 = arith.mulf %mul3A_360, %convert_element_type3A_270 : vector<2048x128xf32>
    %add3A_362 = arith.addf %mul3A_353, %mul3A_361 : vector<2048x128xf32>
    %get3A_363 = arith.index_cast %arg0 : i32 to index
    %get3A_364 = arith.constant 2 : index
    %get3A_365 = arith.constant 2 : index
    %get3A_366 = memref.load %arg1[%get3A_363, %get3A_364, %get3A_365] : memref<2x4x4xf32, #tpu.memory_space<smem>>
    %convert_element_type3A_367 = arith.truncf %get3A_366 : f32 to bf16
    %convert_element_type3A_368 = arith.extf %convert_element_type3A_367 : bf16 to f32
    %mul3A_369 = vector.broadcast %convert_element_type3A_368 : f32 to vector<2048x128xf32>
    %mul3A_370 = arith.mulf %mul3A_369, %convert_element_type3A_277 : vector<2048x128xf32>
    %add3A_371 = arith.addf %add3A_362, %mul3A_370 : vector<2048x128xf32>
    %get3A_372 = arith.index_cast %arg0 : i32 to index
    %get3A_373 = arith.constant 2 : index
    %get3A_374 = arith.constant 3 : index
    %get3A_375 = memref.load %arg1[%get3A_372, %get3A_373, %get3A_374] : memref<2x4x4xf32, #tpu.memory_space<smem>>
    %convert_element_type3A_376 = arith.truncf %get3A_375 : f32 to bf16
    %convert_element_type3A_377 = arith.extf %convert_element_type3A_376 : bf16 to f32
    %add3A_378 = vector.broadcast %convert_element_type3A_377 : f32 to vector<2048x128xf32>
    %add3A_379 = arith.addf %add3A_371, %add3A_378 : vector<2048x128xf32>
    %get3A_380 = arith.index_cast %arg0 : i32 to index
    %get3A_381 = arith.constant 3 : index
    %get3A_382 = arith.constant 0 : index
    %get3A_383 = memref.load %arg1[%get3A_380, %get3A_381, %get3A_382] : memref<2x4x4xf32, #tpu.memory_space<smem>>
    %convert_element_type3A_384 = arith.truncf %get3A_383 : f32 to bf16
    %convert_element_type3A_385 = arith.extf %convert_element_type3A_384 : bf16 to f32
    %mul3A_386 = vector.broadcast %convert_element_type3A_385 : f32 to vector<2048x128xf32>
    %mul3A_387 = arith.mulf %mul3A_386, %convert_element_type3A_263 : vector<2048x128xf32>
    %get3A_388 = arith.index_cast %arg0 : i32 to index
    %get3A_389 = arith.constant 3 : index
    %get3A_390 = arith.constant 1 : index
    %get3A_391 = memref.load %arg1[%get3A_388, %get3A_389, %get3A_390] : memref<2x4x4xf32, #tpu.memory_space<smem>>
    %convert_element_type3A_392 = arith.truncf %get3A_391 : f32 to bf16
    %convert_element_type3A_393 = arith.extf %convert_element_type3A_392 : bf16 to f32
    %mul3A_394 = vector.broadcast %convert_element_type3A_393 : f32 to vector<2048x128xf32>
    %mul3A_395 = arith.mulf %mul3A_394, %convert_element_type3A_270 : vector<2048x128xf32>
    %add3A_396 = arith.addf %mul3A_387, %mul3A_395 : vector<2048x128xf32>
    %get3A_397 = arith.index_cast %arg0 : i32 to index
    %get3A_398 = arith.constant 3 : index
    %get3A_399 = arith.constant 2 : index
    %get3A_400 = memref.load %arg1[%get3A_397, %get3A_398, %get3A_399] : memref<2x4x4xf32, #tpu.memory_space<smem>>
    %convert_element_type3A_401 = arith.truncf %get3A_400 : f32 to bf16
    %convert_element_type3A_402 = arith.extf %convert_element_type3A_401 : bf16 to f32
    %mul3A_403 = vector.broadcast %convert_element_type3A_402 : f32 to vector<2048x128xf32>
    %mul3A_404 = arith.mulf %mul3A_403, %convert_element_type3A_277 : vector<2048x128xf32>
    %add3A_405 = arith.addf %add3A_396, %mul3A_404 : vector<2048x128xf32>
    %get3A_406 = arith.index_cast %arg0 : i32 to index
    %get3A_407 = arith.constant 3 : index
    %get3A_408 = arith.constant 3 : index
    %get3A_409 = memref.load %arg1[%get3A_406, %get3A_407, %get3A_408] : memref<2x4x4xf32, #tpu.memory_space<smem>>
    %convert_element_type3A_410 = arith.truncf %get3A_409 : f32 to bf16
    %convert_element_type3A_411 = arith.extf %convert_element_type3A_410 : bf16 to f32
    %add3A_412 = vector.broadcast %convert_element_type3A_411 : f32 to vector<2048x128xf32>
    %add3A_413 = arith.addf %add3A_405, %add3A_412 : vector<2048x128xf32>
    %div3A_414 = arith.divf %add3A_311, %add3A_413 : vector<2048x128xf32>
    %div3A_415 = arith.constant 2.000000e+00 : f32
    %div3A_416 = vector.broadcast %div3A_415 : f32 to vector<2048x128xf32>
    %div3A_417 = arith.divf %div3A_414, %div3A_416 : vector<2048x128xf32>
    %add3A_418 = arith.constant 5.000000e-01 : f32
    %add3A_419 = vector.broadcast %add3A_418 : f32 to vector<2048x128xf32>
    %add3A_420 = arith.addf %div3A_417, %add3A_419 : vector<2048x128xf32>
    %mul3A_421 = arith.constant 2.560000e+02 : f32
    %mul3A_422 = vector.broadcast %mul3A_421 : f32 to vector<2048x128xf32>
    %mul3A_423 = arith.mulf %add3A_420, %mul3A_422 : vector<2048x128xf32>
    %div3A_424 = arith.divf %add3A_345, %add3A_413 : vector<2048x128xf32>
    %div3A_425 = arith.constant 2.000000e+00 : f32
    %div3A_426 = vector.broadcast %div3A_425 : f32 to vector<2048x128xf32>
    %div3A_427 = arith.divf %div3A_424, %div3A_426 : vector<2048x128xf32>
    %add3A_428 = arith.constant 5.000000e-01 : f32
    %add3A_429 = vector.broadcast %add3A_428 : f32 to vector<2048x128xf32>
    %add3A_430 = arith.addf %div3A_427, %add3A_429 : vector<2048x128xf32>
    %mul3A_431 = arith.constant 2.560000e+02 : f32
    %mul3A_432 = vector.broadcast %mul3A_431 : f32 to vector<2048x128xf32>
    %mul3A_433 = arith.mulf %add3A_430, %mul3A_432 : vector<2048x128xf32>
    %convert_element_type3A_434 = arith.fptosi %mul3A_423 : vector<2048x128xf32> to vector<2048x128xi32>
    %convert_element_type3A_435 = arith.fptosi %mul3A_433 : vector<2048x128xf32> to vector<2048x128xi32>
    %ge3A_436 = arith.constant 0.000000e+00 : f32
    %ge3A_437 = vector.broadcast %ge3A_436 : f32 to vector<2048x128xf32>
    %ge3A_438 = arith.cmpf oge, %add3A_379, %ge3A_437 : vector<2048x128xf32>
    %ge3A_439 = arith.constant 0 : i32
    %ge3A_440 = vector.broadcast %ge3A_439 : i32 to vector<2048x128xi32>
    %ge3A_441 = arith.cmpi sge, %convert_element_type3A_434, %ge3A_440 : vector<2048x128xi32>
    %and3A_442 = arith.andi %ge3A_438, %ge3A_441 : vector<2048x128xi1>
    %lt3A_443 = arith.constant 256 : i32
    %lt3A_444 = vector.broadcast %lt3A_443 : i32 to vector<2048x128xi32>
    %lt3A_445 = arith.cmpi slt, %convert_element_type3A_434, %lt3A_444 : vector<2048x128xi32>
    %and3A_446 = arith.andi %and3A_442, %lt3A_445 : vector<2048x128xi1>
    %ge3A_447 = arith.constant 0 : i32
    %ge3A_448 = vector.broadcast %ge3A_447 : i32 to vector<2048x128xi32>
    %ge3A_449 = arith.cmpi sge, %convert_element_type3A_435, %ge3A_448 : vector<2048x128xi32>
    %and3A_450 = arith.andi %and3A_446, %ge3A_449 : vector<2048x128xi1>
    %lt3A_451 = arith.constant 256 : i32
    %lt3A_452 = vector.broadcast %lt3A_451 : i32 to vector<2048x128xi32>
    %lt3A_453 = arith.cmpi slt, %convert_element_type3A_435, %lt3A_452 : vector<2048x128xi32>
    %and3A_454 = arith.andi %and3A_450, %lt3A_453 : vector<2048x128xi1>
    %convert_element_type3A_455 = arith.extui %and3A_454 : vector<2048x128xi1> to vector<2048x128xi32>
    %convert_element_type3A_456 = arith.sitofp %convert_element_type3A_455 : vector<2048x128xi32> to vector<2048x128xf32>
    %swap3A_457 = arith.constant 0 : index
    %swap3A_458 = arith.constant 0 : index
    %swap3A_459 = arith.constant 0 : index
    %swap3A_460 = vector.load %arg4[%swap3A_457, %swap3A_458, %swap3A_459] : memref<1x2048x128xf32, #tpu.memory_space<vmem>>, vector<1x2048x128xf32>
    %swap3A_461 = vector.shape_cast %swap3A_460 : vector<1x2048x128xf32> to vector<2048x128xf32>
    %swap3A_462 = vector.shape_cast %convert_element_type3A_456 : vector<2048x128xf32> to vector<1x2048x128xf32>
    tpu.vector_store %arg4[%swap3A_457, %swap3A_458, %swap3A_459], %swap3A_462 {strides = array<i32>} : memref<1x2048x128xf32, #tpu.memory_space<vmem>>, vector<1x2048x128xf32>,
    return
  }
  func.func @transform_0(%arg0: i32) -> (i32, i32, i32) {
    %c0_i32 = arith.constant 0 : i32
    %c0_i32_0 = arith.constant 0 : i32
    %c0_i32_1 = arith.constant 0 : i32
    %c0_i32_2 = arith.constant 0 : i32
    return %c0_i32, %c0_i32_0, %c0_i32_1 : i32, i32, i32
  }
  func.func @transform_1(%arg0: i32) -> (i32, i32) {
    %c0_i32 = arith.constant 0 : i32
    %c0_i32_0 = arith.constant 0 : i32
    %c0_i32_1 = arith.constant 0 : i32
    return %c0_i32, %c0_i32_0 : i32, i32
  }
  func.func @transform_2(%arg0: i32) -> (i32, i32, i32) {
    %c0_i32 = arith.constant 0 : i32
    %c0_i32_0 = arith.constant 0 : i32
    %c0_i32_1 = arith.constant 0 : i32
    return %arg0, %c0_i32, %c0_i32_0 : i32, i32, i32
  }
  func.func @transform_3(%arg0: i32) -> (i32, i32, i32) {
    %c0_i32 = arith.constant 0 : i32
    %c0_i32_0 = arith.constant 0 : i32
    %c0_i32_1 = arith.constant 0 : i32
    return %arg0, %c0_i32, %c0_i32_0 : i32, i32, i32
  }
}

</mosaic_0001>

<sc_bundles>
// kernel: kernel.6.cloned.1.call-start
scs
__scs_entry_jumppad:
0x0: {  	(pc) =	sbr.rel $0x88, $3  }
0x1: {  	(tag) =	ssettag $0x0;
	lr =	simm.s32 $0x1  }
0x2: {  	[smem:$0x3F9C] =	sst lr;
	_ =	strace $0xD0000000  }
0x3: {  	_ = 	snop  }
0x4: {  	_ = 	snop  }
0x5: {  	_ = 	snop  }
0x6: {  	_ = 	snop  }
0x7: {  	_ = 	snop  }
__scs_overlays_trampoline_lowered:
0x8: {  	[smem:$0x3FAB] =	sst s0  }
0x9: {  	[smem:$0x3FAC] =	sst s1  }
0xa: {  	[smem:$0x3FAD] =	sst s2  }
0xb: {  	[smem:$0x3FAE] =	sst s3  }
0xc: {  	[smem:$0x3FAF] =	sst s4  }
0xd: {  	[smem:$0x3FB0] =	sst s5  }
0xe: {  	[smem:$0x3FB1] =	sst s6  }
0xf: {  	[smem:$0x3FB2] =	sst s7  }
0x10: {  	[smem:$0x3FB3] =	sst s8  }
0x11: {  	[smem:$0x3FB4] =	sst s9;
	s0 =	simm.s32 @!p0 $0x0  }
0x12: {  	s1 =	sld [smem:$0x3F9A];
	s0 =	simm.s32 @p0 $0x1  }
0x13: {  	[smem:$0x3FB5] =	sst s0;
	s0 =	simm.s32 @!p1 $0x0  }
0x14: {  	s2 =	sld [smem:$0x3F99];
	s0 =	simm.s32 @p1 $0x1  }
0x15: {  	[smem:$0x3FB6] =	sst s0;
	s0 =	simm.s32 @!p2 $0x0  }
0x16: {  	s3 =	sld [smem:$0x3FDB];
	s0 =	simm.s32 @p2 $0x1  }
0x17: {  	s4 =	simm.s32 $0x1BF5;
	[smem:$0x3FB8] =	sst s0  }
0x18: {  	s0 =	sld [smem:$0x3F9B];
	_ =	swait.ge [sflag:s4], $0x0  }
0x19: {  	s7 =	sld [smem:$0x3F9C]  }
0x1a: {  	s8 =	sadd.s32 $0xFFFFE003, lr  }
0x1b: {  	s9 =	sadd.s32 $0xFFFFFEF7, lr;
	s5 =	simm.s32 $0xFFFFFFFF;
	p2 =	slt.u32 s8, $0xFFFFF086  }
0x1c: {  	p1 =	slt.u32 s9, $0xF7A;
	s5 =	simm.s32 @!p2 $0x0  }
0x1d: {  	s5 =	simm.s32 @p1 $0x1;
	p0 =	seq.s32 s7, s2  }
0x1e: {  	s7 =	smul.u32 @!p0 $0xF7A, s2;
	p2 =	seq.s32 @!p0 s5, $0x0  }
0x1f: {  	s9 =	smul.u32 $0xF7A, s1;
	s8 =	simm.s32 @!p0 $0x1BF5;
	p2 =	por !p2, p0  }
0x20: {  	[sflag:s8] =	ssyncset.s32 @!p0 $0xFFFFF086;
	s6 =	sadd.s32 @!p0 s3, s7;
	s7 =	simm.s32 @!p0 $0x108  }
0x21: {  	s3 =	sadd.s32 s3, s9;
	s6 =	sadd.s32 @!p0 $0x88, s6;
	s7 =	simm.s32 @p2 $0x1082  }
0x22: {  	[simem:s7], [sflag:s8] =	dma.local @!p0 [hbm:s6], $0xF7A  }
0x23: {  	s9 =	sor.u32 $0xD0000000, s2;
	s6 =	simm.s32 $0x108;
	_ =	swait.ge @!p0 [sflag:s8], $0x0  }
0x24: {  	s3 =	sadd.s32 $0x88, s3;
	s6 =	simm.s32 @!p1 $0x1082;
	[sflag:s4] =	ssyncset.s32 $0xFFFFF086  }
0x25: {  	[simem:s6], [sflag:s4] =	dma.local [hbm:s3], $0xF7A  }
0x26: {  	[smem:$0x3F9C] =	sst s1;
	(tag) =	ssettag s2;
	_ =	strace s9  }
0x27: {  	s1 =	sld [smem:$0x3FAC]  }
0x28: {  	s2 =	sld [smem:$0x3FAD]  }
0x29: {  	s4 =	sld [smem:$0x3FAF]  }
0x2a: {  	p0 =	seq.s32 s5, $0x0;
	s5 =	sld [smem:$0x3FB0]  }
0x2b: {  	s6 =	sld [smem:$0x3FB1]  }
0x2c: {  	s7 =	sld [smem:$0x3FB2]  }
0x2d: {  	s3 =	simm.s32 $0x108;
	s8 =	sld [smem:$0x3FB3]  }
0x2e: {  	s3 =	simm.s32 @!p0 $0x1082;
	s9 =	sld [smem:$0x3FB4]  }
0x2f: {  	lr =	sadd.s32 s0, s3;
	s0 =	sld [smem:$0x3FAB]  }
0x30: {  	s3 =	sld [smem:$0x3FAE]  }
0x31: {  	[smem:$0x3FB7] =	sst s10  }
0x32: {  	s10 =	sld [smem:$0x3FB5];
	_ =	sdelay $0x3  }
0x33: {  	p0 =	seq.s32 s10, $0x1;
	s10 =	sld [smem:$0x3FB7];
	_ =	sdelay $0x3  }
0x34: {  	[smem:$0x3FB7] =	sst s10  }
0x35: {  	s10 =	sld [smem:$0x3FB6];
	_ =	sdelay $0x3  }
0x36: {  	p1 =	seq.s32 s10, $0x1;
	s10 =	sld [smem:$0x3FB7];
	_ =	sdelay $0x3  }
0x37: {  	[smem:$0x3FB7] =	sst s10  }
0x38: {  	s10 =	sld [smem:$0x3FB8]  }
0x39: {  	_ = 	snop;
	(pc) =	sbr.ind lr, $3  }
0x3a: {  	_ = 	snop  }
0x3b: {  	_ = 	snop  }
0x3c: {  	p2 =	seq.s32 s10, $0x1;
	s10 =	sld [smem:$0x3FB7]  }
0x3d: {  	_ =	shalt  }
0x3e: {  	_ =	shalt  }
0x3f: {  	_ =	shalt  }
0x40: {  	_ =	shalt  }
0x41: {  	_ =	shalt  }
0x42: {  	_ =	shalt  }
0x43: {  	_ =	shalt  }
0x44: {  	_ =	shalt  }
0x45: {  	_ =	shalt  }
0x46: {  	_ =	shalt  }
0x47: {  	_ =	shalt  }
0x48: {  	_ =	shalt  }
0x49: {  	_ =	shalt  }
0x4a: {  	_ =	shalt  }
0x4b: {  	_ =	shalt  }
0x4c: {  	_ =	shalt  }
0x4d: {  	_ =	shalt  }
0x4e: {  	_ =	shalt  }
0x4f: {  	_ =	shalt  }
0x50: {  	_ =	shalt  }
0x51: {  	_ =	shalt  }
0x52: {  	_ =	shalt  }
0x53: {  	_ =	shalt  }
0x54: {  	_ =	shalt  }
0x55: {  	_ =	shalt  }
0x56: {  	_ =	shalt  }
0x57: {  	_ =	shalt  }
0x58: {  	_ =	shalt  }
0x59: {  	_ =	shalt  }
0x5a: {  	_ =	shalt  }
0x5b: {  	_ =	shalt  }
0x5c: {  	_ =	shalt  }
0x5d: {  	_ =	shalt  }
0x5e: {  	_ =	shalt  }
0x5f: {  	_ =	shalt  }
0x60: {  	_ =	shalt  }
0x61: {  	_ =	shalt  }
0x62: {  	_ =	shalt  }
0x63: {  	_ =	shalt  }
0x64: {  	_ =	shalt  }
0x65: {  	_ =	shalt  }
0x66: {  	_ =	shalt  }
0x67: {  	_ =	shalt  }
0x68: {  	_ =	shalt  }
0x69: {  	_ =	shalt  }
0x6a: {  	_ =	shalt  }
0x6b: {  	_ =	shalt  }
0x6c: {  	_ =	shalt  }
0x6d: {  	_ =	shalt  }
0x6e: {  	_ =	shalt  }
0x6f: {  	_ =	shalt  }
0x70: {  	_ =	shalt  }
0x71: {  	_ =	shalt  }
0x72: {  	_ =	shalt  }
0x73: {  	_ =	shalt  }
0x74: {  	_ =	shalt  }
0x75: {  	_ =	shalt  }
0x76: {  	_ =	shalt  }
0x77: {  	_ =	shalt  }
0x78: {  	_ =	shalt  }
0x79: {  	_ =	shalt  }
0x7a: {  	_ =	shalt  }
0x7b: {  	_ =	shalt  }
0x7c: {  	_ =	shalt  }
0x7d: {  	_ =	shalt  }
0x7e: {  	_ =	shalt  }
0x7f: {  	_ =	shalt  }
0x80: {  	_ =	shalt  }
0x81: {  	_ =	shalt  }
0x82: {  	_ =	shalt  }
0x83: {  	_ =	shalt  }
0x84: {  	_ =	shalt  }
0x85: {  	_ =	shalt  }
0x86: {  	_ =	shalt  }
0x87: {  	_ =	shalt  }
.Lfunc_end0:
.L_simem_size_0:
called_computation_lowered:
.L_overlay_start_0:
0x88: {  	s2 =	sld [smem:$0x3FD9]  }
0x89: {  	s3 =	sld [smem:$0x3FFE];
	_ =	sdelay $0x1  }
0x8a: {  	s1 =	srdreg.scid  }
0x8b: {  	s0 =	sand.u32 $0x1, s1  }
0x8c: {  	s17 =	sshll.u32 s0, $0xA;
	s2 =	sadd.s32 s3, s2  }
0x8d: {  	s2 =	sadd.s32 s2, s17  }
0x8e: {  	[smem:$0x3FC3] =	sst s2  }
0x8f: {  	_ = 	snop  }
0x90: {  	s2 =	sld [smem:$0x3FD0];
	(tm) =	ssettm $0x1  }
0x91: {  	s18 =	sld [smem:$0x3FFB];
	_ =	sdelay $0x3  }
0x92: {  	_ =	strace s18  }
0x93: {  	s3 =	sld [smem:$0x3FFC];
	_ =	sdelay $0x3  }
0x94: {  	_ =	strace s3  }
0x95: {  	s3 =	sld [smem:$0x3FFD];
	_ =	sdelay $0x3  }
0x96: {  	_ =	strace s3  }
0x97: {  	_ =	strace $0x8FFFFFFF  }
0x98: {  	s19 =	sld [smem:$0x3FDB];
	_ =	sdelay $0x1  }
0x99: {  	s4 =	simm.s32 $_scs_section_size  }
0x9a: {  	s5 =	simm.s32 $_size__tile_overlayer_lowered;
	s6 =	simm.s32 $_tile_overlayer_lowered  }
0x9b: {  	s22 =	simm.s32 $0x1BFF;
	s21 =	sshll.u32 s6, $0x1;
	s3 =	sadd.s32 s4, s19  }
0x9c: {  	s7 =	simm.s32 $0x0;
	s20 =	sshll.u32 s5, $0x1;
	s5 =	sadd.s32 s21, s3  }
0x9d: {  	[timem:s7], [sflag:s22] =	dma.local [hbm:s5], s20  }
0x9e: {  	_ =	swait.ge [sflag:s22], s20  }
0x9f: {  	s4 =	ssub.s32 $0x0, s20;
	[sflag:s22] =	ssyncset.done $0x0  }
0xa0: {  	[sflag:s22] =	ssyncadd.s32 s4;
	_ =	sdelay $0x1  }
0xa1: {  	s23 =	simm.s32 $0x1B8B  }
0xa2: {  	_ =	swait.ge [sflag:s23], $0x1  }
0xa3: {  	[sflag:s23] =	ssyncset.done $0x0  }
0xa4: {  	s25 =	simm.s32 $0x1B8E;
	s24 =	sld [smem:$0x3FFE];
	[sflag:s23] =	ssyncadd.s32 $0xFFFFFFFF  }
0xa5: {  	s26 =	simm.s32 $execute0_lowered;
	[smem:$0x3FD2] =	sst s25  }
0xa6: {  	s5 =	sshll.u32 s26, $0x1;
	_ =	strace $0x80000046;
	[dreg:$0x1] =	wrdreg $0xFFFFFFFF  }
0xa7: {  	s28 =	simm.s32 $_size_execute0_lowered;
	s3 =	sadd.s32 s3, s5;
	[dreg:$0x0] =	wrdreg $0x0  }
0xa8: {  	s5 =	sshll.u32 s28, $0x1;
	[dreg:$0x2] =	wrdreg s3  }
0xa9: {  	[dreg:$0x3] =	wrdreg s5  }
0xaa: {  	[dreg:$0x4] =	wrdreg $0xC0  }
0xab: {  	_ =	task [dreg:s7], $0x5FFFF  }
0xac: {  	[dreg:$0x1] =	wrdreg $0xFFFFFFFF  }
0xad: {  	[dreg:$0x0] =	wrdreg $0x60  }
0xae: {  	[dreg:$0x2] =	wrdreg s24  }
0xaf: {  	[dreg:$0x3] =	wrdreg s2  }
0xb0: {  	[dreg:$0x4] =	wrdreg $0x9  }
0xb1: {  	_ =	task.clear_ibuf [dreg:s7], $0x5FFFF;
	_ =	strace $0x90000046  }
0xb2: {  	s29 =	simm.s32 $0x9;
	_ =	strace $0x80000048  }
0xb3: {  	_ =	swait.ge [sflag:s29], $0x1  }
0xb4: {  	[sflag:s29] =	ssyncadd.s32 $0xFFFFFFFF  }
0xb5: {  	_ =	strace $0x90000048  }
0xb6: {  	_ =	sfence  }
0xb7: {  	s30 =	sld [smem:$0x0];
	_ =	sdelay $0x2  }
0xb8: {  	s31 =	sshll.u32 s1, $0xD;
	s1 =	sshrl.u32 s1, $0x2  }
0xb9: {  	s3 =	sand.u32 $0x4000, s31;
	s1 =	sadd.s32 s1, s30  }
0xba: {  	s0 =	sor.u32 s3, s0;
	s1 =	sshll.u32 s1, $0x11  }
0xbb: {  	s0 =	sor.u32 s1, s0  }
0xbc: {  	s0 =	sadd.s32 $0x8F2B, s0  }
0xbd: {  	[sflag:s0] =	ssyncadd.remote.s32 $0x1  }
0xbe: {  	_ =	sfence.sel $0xFFFF  }
0xbf: {  	[dreg:$0x0] =	wrdreg $0xFFFFFFFF;
	(pc) =	sbr.abs _section_cstart, $3  }
0xc0: {  	[dreg:$0x1] =	wrdreg $0xFFFFFFFF  }
0xc1: {  	_ =	task.clear_ibuf [dreg:s7], $0x2FFFF;
	_ =	strace $0x9FFFFFFF  }
0xc2: {  	(tm) =	ssettm $0x7FFFFFFF  }
0xc3: {  	_ =	shalt  }
tec
execute0_lowered:
.L_overlay_start_1:
0x0: {  	(tag) =	ssettag $0x1  }
0x1: {  	s0 =	srdreg.scid  }
0x2: {  	s1 =	rddreg [dreg:$0x0];
	s2 =	stileid.u32  }
0x3: {  	s3 =	rddreg [dreg:$0x1];
	s30 =	simm.s32 $0x7;
	s7 =	simm.s32 $0x4000  }
0x4: {  	s31 =	simm.s32 $0x800;
	s11 =	simm.s32 $0x14000;
	s0 =	sand.u32 $0x1, s0  }
0x5: {  	s8 =	simm.s32 $0x1;
	s4 =	sshll.u32 s2, $0xF;
	s5 =	sshll.u32 s0, $0xE  }
0x6: {  	s29 =	simm.s32 $0xC00;
	s9 =	simm.s32 $0x5;
	s4 =	sor.u32 s5, s4  }
0x7: {  	s2 =	simm.s32 $0x0;
	s5 =	sshll.u32 s4, $0x2;
	s4 =	sshrl.u32 s4, $0x3  }
0x8: {  	[smem:$0x7FF] =	sst s2;
	s5 =	sadd.s32 s5, s1;
	s3 =	sadd.s32 s3, s4  }
0x9: {  	_ =	strace $0x80000047;
	[dreg:$0x3] =	wrdreg s3;
	s12 =	sadd.s32 $0x81000, s5  }
0xa: {  	s28 =	simm.s32 $0x1000;
	s13 =	sadd.s32 $0x82000, s5;
	[dreg:$0x4] =	wrdreg s12  }
0xb: {  	s10 =	simm.s32 $0x6;
	s14 =	sadd.s32 $0x83000, s5;
	[dreg:$0x5] =	wrdreg s13  }
0xc: {  	p0 =	por $0x0, $0x0;
	s15 =	sadd.s32 $0x84000, s5;
	[dreg:$0x6] =	wrdreg s14  }
0xd: {  	s0 =	ssub.s32 $0x2, s0;
	s16 =	sadd.s32 $0x85000, s5;
	[dreg:$0x7] =	wrdreg s15  }
0xe: {  	s24 =	sshrl.u32 s0, $0x1;
	s17 =	sadd.s32 $0x86000, s5;
	[dreg:$0x8] =	wrdreg s16  }
0xf: {  	s0 =	ssub.s32 s0, s24;
	s18 =	sadd.s32 $0x87000, s5;
	[dreg:$0x9] =	wrdreg s17  }
0x10: {  	s24 =	simm.s32 $0x1C00;
	s19 =	sadd.s32 $0x88000, s5;
	[dreg:$0xa] =	wrdreg s18  }
0x11: {  	s0 =	smax.u32 s0, $0x1;
	s20 =	sadd.s32 $0x89000, s5;
	[dreg:$0xb] =	wrdreg s19  }
0x12: {  	s21 =	sadd.s32 $0x8A000, s5;
	s3 =	sadd.s32 $0x1000, s1;
	[dreg:$0xc] =	wrdreg s20  }
0x13: {  	s22 =	sadd.s32 $0x8B000, s5;
	s23 =	sadd.s32 $0x8C000, s5;
	[dreg:$0xd] =	wrdreg s21  }
0x14: {  	s25 =	sadd.s32 $0x8D000, s5;
	s26 =	sadd.s32 $0x8E000, s5;
	[dreg:$0xe] =	wrdreg s22  }
0x15: {  	s6 =	sadd.s32 $0x8F000, s5;
	s4 =	sadd.s32 $0x90000, s5;
	[dreg:$0xf] =	wrdreg s23  }
0x16: {  	s5 =	simm.s32 $0x4;
	p1 =	sne.s32 s0, $0x1;
	[dreg:$0x10] =	wrdreg s25  }
0x17: {  	s1 =	sadd.s32 $0xFFFFFFFF, s0;
	[dreg:$0x11] =	wrdreg s26;
	s13 =	simm.s32 $0x400  }
.Ltmp0:
0x18: {  	s12 =	simm.s32 $0xC000;
	s15 =	simm.s32 $0x2;
	(pc) =	sbr.rel @!p1 .LBB2_3-.Ltmp0, $4  }
0x19: {  	s14 =	simm.s32 $0x3;
	s26 =	simm.s32 $0x1400;
	s25 =	simm.s32 $0x1800  }
0x1a: {  	s23 =	simm.s32 $0x2000;
	s22 =	simm.s32 $0x2400;
	s21 =	simm.s32 $0x2800  }
0x1b: {  	s20 =	simm.s32 $0x2C00;
	s19 =	simm.s32 $0x3000;
	s18 =	simm.s32 $0x3400  }
0x1c: {  	s17 =	simm.s32 $0x3800;
	s16 =	simm.s32 $0x3C00;
	s0 =	rddreg [dreg:$0x3]  }
0x1d: {  	[tilespmem:s2], [sflag:$0x7] =	stream.linear.gather [hbm4b:s0+s2], $0x4000, $0x38;
	[tilespmem:$0x1C000] =	vst v63  }
0x1e: {  	_ =	swait.ge [sflag:s30], $0x4000  }
0x1f: {  	[sflag:s30] =	ssyncset.done $0x0  }
0x20: {  	[sflag:s30] =	ssyncadd.s32 $0xFFFFC000  }
0x21: {  	[tilespmem:s7], [sflag:$0x1] =	stream.indirect.gather [hbm4b:s3+s13], $0x20, s2, s13, $0xb8;
	[tilespmem:$0x1C000] =	vst v63  }
0x22: {  	_ = 	snop  }
0x23: {  	[tilespmem:s12], [sflag:$0x2] =	stream.indirect.gather [hbm4b:s3+s13], $0x20, s13, s13, $0xb8;
	[tilespmem:$0x1C000] =	vst v63  }
0x24: {  	_ = 	snop  }
0x25: {  	[tilespmem:s11], [sflag:$0x3] =	stream.indirect.gather [hbm4b:s3+s13], $0x20, s31, s13, $0xb8;
	[tilespmem:$0x1C000] =	vst v63  }
0x26: {  	_ =	swait.ge [sflag:s8], $0x8000  }
0x27: {  	[sflag:s8] =	ssyncset.done $0x0  }
0x28: {  	s0 =	rddreg [dreg:$0x4];
	[sflag:s8] =	ssyncadd.s32 $0xFFFF8000  }
0x29: {  	[hbm4b:s0+s2] =	stream.linear.scatter [tilespmem:s7], [sflag:$0x4], $0x8000, $0x38;
	[tilespmem:$0x1C000] =	vst v63  }
0x2a: {  	_ =	swait.ge [sflag:s5], $0x8000  }
0x2b: {  	[sflag:s5] =	ssyncset.done $0x0  }
0x2c: {  	[sflag:s5] =	ssyncadd.s32 $0xFFFF8000  }
0x2d: {  	[tilespmem:s7], [sflag:$0x1] =	stream.indirect.gather [hbm4b:s3+s13], $0x20, s29, s13, $0xb8;
	[tilespmem:$0x1C000] =	vst v63  }
0x2e: {  	_ =	swait.ge [sflag:s15], $0x8000  }
0x2f: {  	[sflag:s15] =	ssyncset.done $0x0  }
0x30: {  	s0 =	rddreg [dreg:$0x5];
	[sflag:s15] =	ssyncadd.s32 $0xFFFF8000  }
0x31: {  	[hbm4b:s0+s2] =	stream.linear.scatter [tilespmem:s12], [sflag:$0x5], $0x8000, $0x38;
	[tilespmem:$0x1C000] =	vst v63  }
0x32: {  	_ =	swait.ge [sflag:s9], $0x8000  }
0x33: {  	[sflag:s9] =	ssyncset.done $0x0  }
0x34: {  	[sflag:s9] =	ssyncadd.s32 $0xFFFF8000  }
0x35: {  	[tilespmem:s12], [sflag:$0x2] =	stream.indirect.gather [hbm4b:s3+s13], $0x20, s28, s13, $0xb8;
	[tilespmem:$0x1C000] =	vst v63  }
0x36: {  	_ =	swait.ge [sflag:s14], $0x8000  }
0x37: {  	[sflag:s14] =	ssyncset.done $0x0  }
0x38: {  	s0 =	rddreg [dreg:$0x6];
	[sflag:s14] =	ssyncadd.s32 $0xFFFF8000  }
0x39: {  	[hbm4b:s0+s2] =	stream.linear.scatter [tilespmem:s11], [sflag:$0x6], $0x8000, $0x38;
	[tilespmem:$0x1C000] =	vst v63  }
0x3a: {  	_ =	swait.ge [sflag:s10], $0x8000  }
0x3b: {  	[sflag:s10] =	ssyncset.done $0x0  }
0x3c: {  	[sflag:s10] =	ssyncadd.s32 $0xFFFF8000  }
0x3d: {  	[tilespmem:s11], [sflag:$0x3] =	stream.indirect.gather [hbm4b:s3+s13], $0x20, s26, s13, $0xb8;
	[tilespmem:$0x1C000] =	vst v63  }
0x3e: {  	_ =	swait.ge [sflag:s8], $0x8000  }
0x3f: {  	[sflag:s8] =	ssyncset.done $0x0  }
0x40: {  	s0 =	rddreg [dreg:$0x7];
	[sflag:s8] =	ssyncadd.s32 $0xFFFF8000  }
0x41: {  	[hbm4b:s0+s2] =	stream.linear.scatter [tilespmem:s7], [sflag:$0x4], $0x8000, $0x38;
	[tilespmem:$0x1C000] =	vst v63  }
0x42: {  	_ =	swait.ge [sflag:s5], $0x8000  }
0x43: {  	[sflag:s5] =	ssyncset.done $0x0  }
0x44: {  	[sflag:s5] =	ssyncadd.s32 $0xFFFF8000  }
0x45: {  	[tilespmem:s7], [sflag:$0x1] =	stream.indirect.gather [hbm4b:s3+s13], $0x20, s25, s13, $0xb8;
	[tilespmem:$0x1C000] =	vst v63  }
0x46: {  	_ =	swait.ge [sflag:s15], $0x8000  }
0x47: {  	[sflag:s15] =	ssyncset.done $0x0  }
0x48: {  	s0 =	rddreg [dreg:$0x8];
	[sflag:s15] =	ssyncadd.s32 $0xFFFF8000  }
0x49: {  	[hbm4b:s0+s2] =	stream.linear.scatter [tilespmem:s12], [sflag:$0x5], $0x8000, $0x38;
	[tilespmem:$0x1C000] =	vst v63  }
0x4a: {  	_ =	swait.ge [sflag:s9], $0x8000  }
0x4b: {  	[sflag:s9] =	ssyncset.done $0x0  }
0x4c: {  	[sflag:s9] =	ssyncadd.s32 $0xFFFF8000  }
0x4d: {  	[tilespmem:s12], [sflag:$0x2] =	stream.indirect.gather [hbm4b:s3+s13], $0x20, s24, s13, $0xb8;
	[tilespmem:$0x1C000] =	vst v63  }
0x4e: {  	_ =	swait.ge [sflag:s14], $0x8000  }
0x4f: {  	[sflag:s14] =	ssyncset.done $0x0  }
0x50: {  	s0 =	rddreg [dreg:$0x9];
	[sflag:s14] =	ssyncadd.s32 $0xFFFF8000  }
0x51: {  	[hbm4b:s0+s2] =	stream.linear.scatter [tilespmem:s11], [sflag:$0x6], $0x8000, $0x38;
	[tilespmem:$0x1C000] =	vst v63  }
0x52: {  	_ =	swait.ge [sflag:s10], $0x8000  }
0x53: {  	[sflag:s10] =	ssyncset.done $0x0  }
0x54: {  	[sflag:s10] =	ssyncadd.s32 $0xFFFF8000  }
0x55: {  	[tilespmem:s11], [sflag:$0x3] =	stream.indirect.gather [hbm4b:s3+s13], $0x20, s23, s13, $0xb8;
	[tilespmem:$0x1C000] =	vst v63  }
0x56: {  	_ =	swait.ge [sflag:s8], $0x8000  }
0x57: {  	[sflag:s8] =	ssyncset.done $0x0  }
0x58: {  	s0 =	rddreg [dreg:$0xa];
	[sflag:s8] =	ssyncadd.s32 $0xFFFF8000  }
0x59: {  	[hbm4b:s0+s2] =	stream.linear.scatter [tilespmem:s7], [sflag:$0x4], $0x8000, $0x38;
	[tilespmem:$0x1C000] =	vst v63  }
0x5a: {  	_ =	swait.ge [sflag:s5], $0x8000  }
0x5b: {  	[sflag:s5] =	ssyncset.done $0x0  }
0x5c: {  	[sflag:s5] =	ssyncadd.s32 $0xFFFF8000  }
0x5d: {  	[tilespmem:s7], [sflag:$0x1] =	stream.indirect.gather [hbm4b:s3+s13], $0x20, s22, s13, $0xb8;
	[tilespmem:$0x1C000] =	vst v63  }
0x5e: {  	_ =	swait.ge [sflag:s15], $0x8000  }
0x5f: {  	[sflag:s15] =	ssyncset.done $0x0  }
0x60: {  	s0 =	rddreg [dreg:$0xb];
	[sflag:s15] =	ssyncadd.s32 $0xFFFF8000  }
0x61: {  	[hbm4b:s0+s2] =	stream.linear.scatter [tilespmem:s12], [sflag:$0x5], $0x8000, $0x38;
	[tilespmem:$0x1C000] =	vst v63  }
0x62: {  	_ =	swait.ge [sflag:s9], $0x8000  }
0x63: {  	[sflag:s9] =	ssyncset.done $0x0  }
0x64: {  	[sflag:s9] =	ssyncadd.s32 $0xFFFF8000  }
0x65: {  	[tilespmem:s12], [sflag:$0x2] =	stream.indirect.gather [hbm4b:s3+s13], $0x20, s21, s13, $0xb8;
	[tilespmem:$0x1C000] =	vst v63  }
0x66: {  	_ =	swait.ge [sflag:s14], $0x8000  }
0x67: {  	[sflag:s14] =	ssyncset.done $0x0  }
0x68: {  	s0 =	rddreg [dreg:$0xc];
	[sflag:s14] =	ssyncadd.s32 $0xFFFF8000  }
0x69: {  	[hbm4b:s0+s2] =	stream.linear.scatter [tilespmem:s11], [sflag:$0x6], $0x8000, $0x38;
	[tilespmem:$0x1C000] =	vst v63  }
0x6a: {  	_ =	swait.ge [sflag:s10], $0x8000  }
0x6b: {  	[sflag:s10] =	ssyncset.done $0x0  }
0x6c: {  	[sflag:s10] =	ssyncadd.s32 $0xFFFF8000  }
0x6d: {  	[tilespmem:s11], [sflag:$0x3] =	stream.indirect.gather [hbm4b:s3+s13], $0x20, s20, s13, $0xb8;
	[tilespmem:$0x1C000] =	vst v63  }
0x6e: {  	_ =	swait.ge [sflag:s8], $0x8000  }
0x6f: {  	[sflag:s8] =	ssyncset.done $0x0  }
0x70: {  	s0 =	rddreg [dreg:$0xd];
	[sflag:s8] =	ssyncadd.s32 $0xFFFF8000  }
0x71: {  	[hbm4b:s0+s2] =	stream.linear.scatter [tilespmem:s7], [sflag:$0x4], $0x8000, $0x38;
	[tilespmem:$0x1C000] =	vst v63  }
0x72: {  	_ =	swait.ge [sflag:s5], $0x8000  }
0x73: {  	[sflag:s5] =	ssyncset.done $0x0  }
0x74: {  	[sflag:s5] =	ssyncadd.s32 $0xFFFF8000  }
0x75: {  	[tilespmem:s7], [sflag:$0x1] =	stream.indirect.gather [hbm4b:s3+s13], $0x20, s19, s13, $0xb8;
	[tilespmem:$0x1C000] =	vst v63  }
0x76: {  	_ =	swait.ge [sflag:s15], $0x8000  }
0x77: {  	[sflag:s15] =	ssyncset.done $0x0  }
0x78: {  	s0 =	rddreg [dreg:$0xe];
	[sflag:s15] =	ssyncadd.s32 $0xFFFF8000  }
0x79: {  	[hbm4b:s0+s2] =	stream.linear.scatter [tilespmem:s12], [sflag:$0x5], $0x8000, $0x38;
	[tilespmem:$0x1C000] =	vst v63  }
0x7a: {  	_ =	swait.ge [sflag:s9], $0x8000  }
0x7b: {  	[sflag:s9] =	ssyncset.done $0x0  }
0x7c: {  	[sflag:s9] =	ssyncadd.s32 $0xFFFF8000  }
0x7d: {  	[tilespmem:s12], [sflag:$0x2] =	stream.indirect.gather [hbm4b:s3+s13], $0x20, s18, s13, $0xb8;
	[tilespmem:$0x1C000] =	vst v63  }
0x7e: {  	_ =	swait.ge [sflag:s14], $0x8000  }
0x7f: {  	[sflag:s14] =	ssyncset.done $0x0  }
0x80: {  	s0 =	rddreg [dreg:$0xf];
	[sflag:s14] =	ssyncadd.s32 $0xFFFF8000  }
0x81: {  	[hbm4b:s0+s2] =	stream.linear.scatter [tilespmem:s11], [sflag:$0x6], $0x8000, $0x38;
	[tilespmem:$0x1C000] =	vst v63  }
0x82: {  	_ =	swait.ge [sflag:s10], $0x8000  }
0x83: {  	[sflag:s10] =	ssyncset.done $0x0  }
0x84: {  	[sflag:s10] =	ssyncadd.s32 $0xFFFF8000  }
0x85: {  	[tilespmem:s11], [sflag:$0x3] =	stream.indirect.gather [hbm4b:s3+s13], $0x20, s17, s13, $0xb8;
	[tilespmem:$0x1C000] =	vst v63  }
0x86: {  	_ =	swait.ge [sflag:s8], $0x8000  }
0x87: {  	[sflag:s8] =	ssyncset.done $0x0  }
0x88: {  	s0 =	rddreg [dreg:$0x10];
	[sflag:s8] =	ssyncadd.s32 $0xFFFF8000  }
0x89: {  	[hbm4b:s0+s2] =	stream.linear.scatter [tilespmem:s7], [sflag:$0x4], $0x8000, $0x38;
	[tilespmem:$0x1C000] =	vst v63  }
0x8a: {  	_ =	swait.ge [sflag:s5], $0x8000  }
0x8b: {  	[sflag:s5] =	ssyncset.done $0x0  }
0x8c: {  	[sflag:s5] =	ssyncadd.s32 $0xFFFF8000  }
0x8d: {  	[tilespmem:s7], [sflag:$0x1] =	stream.indirect.gather [hbm4b:s3+s13], $0x20, s16, s13, $0xb8;
	[tilespmem:$0x1C000] =	vst v63  }
0x8e: {  	_ =	swait.ge [sflag:s15], $0x8000  }
0x8f: {  	[sflag:s15] =	ssyncset.done $0x0  }
0x90: {  	s0 =	rddreg [dreg:$0x11];
	[sflag:s15] =	ssyncadd.s32 $0xFFFF8000  }
0x91: {  	[hbm4b:s0+s2] =	stream.linear.scatter [tilespmem:s12], [sflag:$0x5], $0x8000, $0x38;
	[tilespmem:$0x1C000] =	vst v63  }
0x92: {  	_ =	swait.ge [sflag:s14], $0x8000  }
0x93: {  	[sflag:s14] =	ssyncset.done $0x0  }
0x94: {  	[sflag:s14] =	ssyncadd.s32 $0xFFFF8000  }
0x95: {  	[hbm4b:s6+s2] =	stream.linear.scatter [tilespmem:s11], [sflag:$0x6], $0x8000, $0x38;
	[tilespmem:$0x1C000] =	vst v63  }
0x96: {  	_ =	swait.ge [sflag:s8], $0x8000  }
0x97: {  	[sflag:s8] =	ssyncset.done $0x0  }
0x98: {  	[sflag:s8] =	ssyncadd.s32 $0xFFFF8000  }
0x99: {  	[hbm4b:s4+s2] =	stream.linear.scatter [tilespmem:s7], [sflag:$0x4], $0x8000, $0x38;
	[tilespmem:$0x1C000] =	vst v63  }
0x9a: {  	_ =	swait.ge [sflag:s9], $0x8000  }
0x9b: {  	[sflag:s9] =	ssyncset.done $0x0  }
0x9c: {  	p1 =	sne.s32 s1, $0x1;
	[sflag:s9] =	ssyncadd.s32 $0xFFFF8000  }
.Ltmp1:
0x9d: {  	_ =	swait.ge [sflag:s10], $0x8000;
	(pc) =	sbr.rel @!p1 .LBB2_3-.Ltmp1, $4  }
0x9e: {  	[sflag:s10] =	ssyncset.done $0x0  }
0x9f: {  	[sflag:s10] =	ssyncadd.s32 $0xFFFF8000  }
0xa0: {  	s1 =	sadd.s32 $0xFFFFFFFF, s1;
	_ =	swait.ge [sflag:s5], $0x8000  }
0xa1: {  	p0 =	por $0x1, $0x1;
	s0 =	rddreg [dreg:$0x3];
	[sflag:s5] =	ssyncset.done $0x0  }
.LBB2_2:
0xa2: {  	[sflag:s5] =	ssyncadd.s32 $0xFFFF8000  }
0xa3: {  	[tilespmem:s2], [sflag:$0x7] =	stream.linear.gather [hbm4b:s0+s2], $0x4000, $0x38;
	[tilespmem:$0x1C000] =	vst v63  }
0xa4: {  	_ =	swait.ge [sflag:s30], $0x4000  }
0xa5: {  	[sflag:s30] =	ssyncset.done $0x0  }
0xa6: {  	[sflag:s30] =	ssyncadd.s32 $0xFFFFC000  }
0xa7: {  	[tilespmem:s7], [sflag:$0x1] =	stream.indirect.gather [hbm4b:s3+s13], $0x20, s2, s13, $0xb8;
	[tilespmem:$0x1C000] =	vst v63  }
0xa8: {  	_ = 	snop  }
0xa9: {  	[tilespmem:s12], [sflag:$0x2] =	stream.indirect.gather [hbm4b:s3+s13], $0x20, s13, s13, $0xb8;
	[tilespmem:$0x1C000] =	vst v63  }
0xaa: {  	_ = 	snop  }
0xab: {  	[tilespmem:s11], [sflag:$0x3] =	stream.indirect.gather [hbm4b:s3+s13], $0x20, s31, s13, $0xb8;
	[tilespmem:$0x1C000] =	vst v63  }
0xac: {  	_ =	swait.ge [sflag:s8], $0x8000  }
0xad: {  	[sflag:s8] =	ssyncset.done $0x0  }
0xae: {  	s0 =	rddreg [dreg:$0x4];
	[sflag:s8] =	ssyncadd.s32 $0xFFFF8000  }
0xaf: {  	[hbm4b:s0+s2] =	stream.linear.scatter [tilespmem:s7], [sflag:$0x4], $0x8000, $0x38;
	[tilespmem:$0x1C000] =	vst v63  }
0xb0: {  	_ =	swait.ge [sflag:s5], $0x8000  }
0xb1: {  	[sflag:s5] =	ssyncset.done $0x0  }
0xb2: {  	[sflag:s5] =	ssyncadd.s32 $0xFFFF8000  }
0xb3: {  	[tilespmem:s7], [sflag:$0x1] =	stream.indirect.gather [hbm4b:s3+s13], $0x20, s29, s13, $0xb8;
	[tilespmem:$0x1C000] =	vst v63  }
0xb4: {  	_ =	swait.ge [sflag:s15], $0x8000  }
0xb5: {  	[sflag:s15] =	ssyncset.done $0x0  }
0xb6: {  	s0 =	rddreg [dreg:$0x5];
	[sflag:s15] =	ssyncadd.s32 $0xFFFF8000  }
0xb7: {  	[hbm4b:s0+s2] =	stream.linear.scatter [tilespmem:s12], [sflag:$0x5], $0x8000, $0x38;
	[tilespmem:$0x1C000] =	vst v63  }
0xb8: {  	_ =	swait.ge [sflag:s9], $0x8000  }
0xb9: {  	[sflag:s9] =	ssyncset.done $0x0  }
0xba: {  	[sflag:s9] =	ssyncadd.s32 $0xFFFF8000  }
0xbb: {  	[tilespmem:s12], [sflag:$0x2] =	stream.indirect.gather [hbm4b:s3+s13], $0x20, s28, s13, $0xb8;
	[tilespmem:$0x1C000] =	vst v63  }
0xbc: {  	_ =	swait.ge [sflag:s14], $0x8000  }
0xbd: {  	[sflag:s14] =	ssyncset.done $0x0  }
0xbe: {  	s0 =	rddreg [dreg:$0x6];
	[sflag:s14] =	ssyncadd.s32 $0xFFFF8000  }
0xbf: {  	[hbm4b:s0+s2] =	stream.linear.scatter [tilespmem:s11], [sflag:$0x6], $0x8000, $0x38;
	[tilespmem:$0x1C000] =	vst v63  }
0xc0: {  	_ =	swait.ge [sflag:s10], $0x8000  }
0xc1: {  	[sflag:s10] =	ssyncset.done $0x0  }
0xc2: {  	[sflag:s10] =	ssyncadd.s32 $0xFFFF8000  }
0xc3: {  	[tilespmem:s11], [sflag:$0x3] =	stream.indirect.gather [hbm4b:s3+s13], $0x20, s26, s13, $0xb8;
	[tilespmem:$0x1C000] =	vst v63  }
0xc4: {  	_ =	swait.ge [sflag:s8], $0x8000  }
0xc5: {  	[sflag:s8] =	ssyncset.done $0x0  }
0xc6: {  	s0 =	rddreg [dreg:$0x7];
	[sflag:s8] =	ssyncadd.s32 $0xFFFF8000  }
0xc7: {  	[hbm4b:s0+s2] =	stream.linear.scatter [tilespmem:s7], [sflag:$0x4], $0x8000, $0x38;
	[tilespmem:$0x1C000] =	vst v63  }
0xc8: {  	_ =	swait.ge [sflag:s5], $0x8000  }
0xc9: {  	[sflag:s5] =	ssyncset.done $0x0  }
0xca: {  	[sflag:s5] =	ssyncadd.s32 $0xFFFF8000  }
0xcb: {  	[tilespmem:s7], [sflag:$0x1] =	stream.indirect.gather [hbm4b:s3+s13], $0x20, s25, s13, $0xb8;
	[tilespmem:$0x1C000] =	vst v63  }
0xcc: {  	_ =	swait.ge [sflag:s15], $0x8000  }
0xcd: {  	[sflag:s15] =	ssyncset.done $0x0  }
0xce: {  	s0 =	rddreg [dreg:$0x8];
	[sflag:s15] =	ssyncadd.s32 $0xFFFF8000  }
0xcf: {  	[hbm4b:s0+s2] =	stream.linear.scatter [tilespmem:s12], [sflag:$0x5], $0x8000, $0x38;
	[tilespmem:$0x1C000] =	vst v63  }
0xd0: {  	_ =	swait.ge [sflag:s9], $0x8000  }
0xd1: {  	[sflag:s9] =	ssyncset.done $0x0  }
0xd2: {  	[sflag:s9] =	ssyncadd.s32 $0xFFFF8000  }
0xd3: {  	[tilespmem:s12], [sflag:$0x2] =	stream.indirect.gather [hbm4b:s3+s13], $0x20, s24, s13, $0xb8;
	[tilespmem:$0x1C000] =	vst v63  }
0xd4: {  	_ =	swait.ge [sflag:s14], $0x8000  }
0xd5: {  	[sflag:s14] =	ssyncset.done $0x0  }
0xd6: {  	s0 =	rddreg [dreg:$0x9];
	[sflag:s14] =	ssyncadd.s32 $0xFFFF8000  }
0xd7: {  	[hbm4b:s0+s2] =	stream.linear.scatter [tilespmem:s11], [sflag:$0x6], $0x8000, $0x38;
	[tilespmem:$0x1C000] =	vst v63  }
0xd8: {  	_ =	swait.ge [sflag:s10], $0x8000  }
0xd9: {  	[sflag:s10] =	ssyncset.done $0x0  }
0xda: {  	[sflag:s10] =	ssyncadd.s32 $0xFFFF8000  }
0xdb: {  	[tilespmem:s11], [sflag:$0x3] =	stream.indirect.gather [hbm4b:s3+s13], $0x20, s23, s13, $0xb8;
	[tilespmem:$0x1C000] =	vst v63  }
0xdc: {  	_ =	swait.ge [sflag:s8], $0x8000  }
0xdd: {  	[sflag:s8] =	ssyncset.done $0x0  }
0xde: {  	s0 =	rddreg [dreg:$0xa];
	[sflag:s8] =	ssyncadd.s32 $0xFFFF8000  }
0xdf: {  	[hbm4b:s0+s2] =	stream.linear.scatter [tilespmem:s7], [sflag:$0x4], $0x8000, $0x38;
	[tilespmem:$0x1C000] =	vst v63  }
0xe0: {  	_ =	swait.ge [sflag:s5], $0x8000  }
0xe1: {  	[sflag:s5] =	ssyncset.done $0x0  }
0xe2: {  	[sflag:s5] =	ssyncadd.s32 $0xFFFF8000  }
0xe3: {  	[tilespmem:s7], [sflag:$0x1] =	stream.indirect.gather [hbm4b:s3+s13], $0x20, s22, s13, $0xb8;
	[tilespmem:$0x1C000] =	vst v63  }
0xe4: {  	_ =	swait.ge [sflag:s15], $0x8000  }
0xe5: {  	[sflag:s15] =	ssyncset.done $0x0  }
0xe6: {  	s0 =	rddreg [dreg:$0xb];
	[sflag:s15] =	ssyncadd.s32 $0xFFFF8000  }
0xe7: {  	[hbm4b:s0+s2] =	stream.linear.scatter [tilespmem:s12], [sflag:$0x5], $0x8000, $0x38;
	[tilespmem:$0x1C000] =	vst v63  }
0xe8: {  	_ =	swait.ge [sflag:s9], $0x8000  }
0xe9: {  	[sflag:s9] =	ssyncset.done $0x0  }
0xea: {  	[sflag:s9] =	ssyncadd.s32 $0xFFFF8000  }
0xeb: {  	[tilespmem:s12], [sflag:$0x2] =	stream.indirect.gather [hbm4b:s3+s13], $0x20, s21, s13, $0xb8;
	[tilespmem:$0x1C000] =	vst v63  }
0xec: {  	_ =	swait.ge [sflag:s14], $0x8000  }
0xed: {  	[sflag:s14] =	ssyncset.done $0x0  }
0xee: {  	s0 =	rddreg [dreg:$0xc];
	[sflag:s14] =	ssyncadd.s32 $0xFFFF8000  }
0xef: {  	[hbm4b:s0+s2] =	stream.linear.scatter [tilespmem:s11], [sflag:$0x6], $0x8000, $0x38;
	[tilespmem:$0x1C000] =	vst v63  }
0xf0: {  	_ =	swait.ge [sflag:s10], $0x8000  }
0xf1: {  	[sflag:s10] =	ssyncset.done $0x0  }
0xf2: {  	[sflag:s10] =	ssyncadd.s32 $0xFFFF8000  }
0xf3: {  	[tilespmem:s11], [sflag:$0x3] =	stream.indirect.gather [hbm4b:s3+s13], $0x20, s20, s13, $0xb8;
	[tilespmem:$0x1C000] =	vst v63  }
0xf4: {  	_ =	swait.ge [sflag:s8], $0x8000  }
0xf5: {  	[sflag:s8] =	ssyncset.done $0x0  }
0xf6: {  	s0 =	rddreg [dreg:$0xd];
	[sflag:s8] =	ssyncadd.s32 $0xFFFF8000  }
0xf7: {  	[hbm4b:s0+s2] =	stream.linear.scatter [tilespmem:s7], [sflag:$0x4], $0x8000, $0x38;
	[tilespmem:$0x1C000] =	vst v63  }
0xf8: {  	_ =	swait.ge [sflag:s5], $0x8000  }
0xf9: {  	[sflag:s5] =	ssyncset.done $0x0  }
0xfa: {  	[sflag:s5] =	ssyncadd.s32 $0xFFFF8000  }
0xfb: {  	[tilespmem:s7], [sflag:$0x1] =	stream.indirect.gather [hbm4b:s3+s13], $0x20, s19, s13, $0xb8;
	[tilespmem:$0x1C000] =	vst v63  }
0xfc: {  	_ =	swait.ge [sflag:s15], $0x8000  }
0xfd: {  	[sflag:s15] =	ssyncset.done $0x0  }
0xfe: {  	s0 =	rddreg [dreg:$0xe];
	[sflag:s15] =	ssyncadd.s32 $0xFFFF8000  }
0xff: {  	[hbm4b:s0+s2] =	stream.linear.scatter [tilespmem:s12], [sflag:$0x5], $0x8000, $0x38;
	[tilespmem:$0x1C000] =	vst v63  }
0x100: {  	_ =	swait.ge [sflag:s9], $0x8000  }
0x101: {  	[sflag:s9] =	ssyncset.done $0x0  }
0x102: {  	[sflag:s9] =	ssyncadd.s32 $0xFFFF8000  }
0x103: {  	[tilespmem:s12], [sflag:$0x2] =	stream.indirect.gather [hbm4b:s3+s13], $0x20, s18, s13, $0xb8;
	[tilespmem:$0x1C000] =	vst v63  }
0x104: {  	_ =	swait.ge [sflag:s14], $0x8000  }
0x105: {  	[sflag:s14] =	ssyncset.done $0x0  }
0x106: {  	s0 =	rddreg [dreg:$0xf];
	[sflag:s14] =	ssyncadd.s32 $0xFFFF8000  }
0x107: {  	[hbm4b:s0+s2] =	stream.linear.scatter [tilespmem:s11], [sflag:$0x6], $0x8000, $0x38;
	[tilespmem:$0x1C000] =	vst v63  }
0x108: {  	_ =	swait.ge [sflag:s10], $0x8000  }
0x109: {  	[sflag:s10] =	ssyncset.done $0x0  }
0x10a: {  	[sflag:s10] =	ssyncadd.s32 $0xFFFF8000  }
0x10b: {  	[tilespmem:s11], [sflag:$0x3] =	stream.indirect.gather [hbm4b:s3+s13], $0x20, s17, s13, $0xb8;
	[tilespmem:$0x1C000] =	vst v63  }
0x10c: {  	_ =	swait.ge [sflag:s8], $0x8000  }
0x10d: {  	[sflag:s8] =	ssyncset.done $0x0  }
0x10e: {  	s0 =	rddreg [dreg:$0x10];
	[sflag:s8] =	ssyncadd.s32 $0xFFFF8000  }
0x10f: {  	[hbm4b:s0+s2] =	stream.linear.scatter [tilespmem:s7], [sflag:$0x4], $0x8000, $0x38;
	[tilespmem:$0x1C000] =	vst v63  }
0x110: {  	_ =	swait.ge [sflag:s5], $0x8000  }
0x111: {  	[sflag:s5] =	ssyncset.done $0x0  }
0x112: {  	[sflag:s5] =	ssyncadd.s32 $0xFFFF8000  }
0x113: {  	[tilespmem:s7], [sflag:$0x1] =	stream.indirect.gather [hbm4b:s3+s13], $0x20, s16, s13, $0xb8;
	[tilespmem:$0x1C000] =	vst v63  }
0x114: {  	_ =	swait.ge [sflag:s15], $0x8000  }
0x115: {  	[sflag:s15] =	ssyncset.done $0x0  }
0x116: {  	s0 =	rddreg [dreg:$0x11];
	[sflag:s15] =	ssyncadd.s32 $0xFFFF8000  }
0x117: {  	[hbm4b:s0+s2] =	stream.linear.scatter [tilespmem:s12], [sflag:$0x5], $0x8000, $0x38;
	[tilespmem:$0x1C000] =	vst v63  }
0x118: {  	_ =	swait.ge [sflag:s14], $0x8000  }
0x119: {  	[sflag:s14] =	ssyncset.done $0x0  }
0x11a: {  	[sflag:s14] =	ssyncadd.s32 $0xFFFF8000  }
0x11b: {  	[hbm4b:s6+s2] =	stream.linear.scatter [tilespmem:s11], [sflag:$0x6], $0x8000, $0x38;
	[tilespmem:$0x1C000] =	vst v63  }
0x11c: {  	_ =	swait.ge [sflag:s8], $0x8000  }
0x11d: {  	[sflag:s8] =	ssyncset.done $0x0  }
0x11e: {  	[sflag:s8] =	ssyncadd.s32 $0xFFFF8000  }
0x11f: {  	[hbm4b:s4+s2] =	stream.linear.scatter [tilespmem:s7], [sflag:$0x4], $0x8000, $0x38;
	[tilespmem:$0x1C000] =	vst v63  }
0x120: {  	_ =	swait.ge [sflag:s9], $0x8000  }
0x121: {  	[sflag:s9] =	ssyncset.done $0x0  }
0x122: {  	p1 =	sne.s32 s1, $0x1;
	[sflag:s9] =	ssyncadd.s32 $0xFFFF8000  }
.Ltmp2:
0x123: {  	_ =	swait.ge [sflag:s10], $0x8000;
	(pc) =	sbr.rel @p1 .LBB2_2-.Ltmp2, $4  }
0x124: {  	[sflag:s10] =	ssyncset.done $0x0  }
0x125: {  	[sflag:s10] =	ssyncadd.s32 $0xFFFF8000  }
0x126: {  	_ =	swait.ge [sflag:s5], $0x8000  }
0x127: {  	s1 =	sadd.s32 $0xFFFFFFFF, s1;
	s0 =	rddreg [dreg:$0x3];
	[sflag:s5] =	ssyncset.done $0x0  }
.LBB2_3:
0x128: {  	[sflag:s5] =	ssyncadd.s32 @p0 $0xFFFF8000  }
0x129: {  	[tilespmem:s2], [sflag:$0x7] =	stream.linear.gather [hbm4b:s0+s2], $0x4000, $0x38;
	[tilespmem:$0x1C000] =	vst v63  }
0x12a: {  	_ =	swait.ge [sflag:s30], $0x4000  }
0x12b: {  	[sflag:s30] =	ssyncset.done $0x0  }
0x12c: {  	[sflag:s30] =	ssyncadd.s32 $0xFFFFC000  }
0x12d: {  	[tilespmem:s7], [sflag:$0x1] =	stream.indirect.gather [hbm4b:s3+s13], $0x20, s2, s13, $0xb8;
	[tilespmem:$0x1C000] =	vst v63  }
0x12e: {  	_ = 	snop  }
0x12f: {  	[tilespmem:s12], [sflag:$0x2] =	stream.indirect.gather [hbm4b:s3+s13], $0x20, s13, s13, $0xb8;
	[tilespmem:$0x1C000] =	vst v63  }
0x130: {  	_ = 	snop  }
0x131: {  	[tilespmem:s11], [sflag:$0x3] =	stream.indirect.gather [hbm4b:s3+s13], $0x20, s31, s13, $0xb8;
	[tilespmem:$0x1C000] =	vst v63  }
0x132: {  	_ =	swait.ge [sflag:s8], $0x8000  }
0x133: {  	[sflag:s8] =	ssyncset.done $0x0  }
0x134: {  	s31 =	rddreg [dreg:$0x4];
	[sflag:s8] =	ssyncadd.s32 $0xFFFF8000  }
0x135: {  	[hbm4b:s31+s2] =	stream.linear.scatter [tilespmem:s7], [sflag:$0x4], $0x8000, $0x38;
	[tilespmem:$0x1C000] =	vst v63  }
0x136: {  	_ =	swait.ge [sflag:s5], $0x8000  }
0x137: {  	[sflag:s5] =	ssyncset.done $0x0  }
0x138: {  	[sflag:s5] =	ssyncadd.s32 $0xFFFF8000  }
0x139: {  	[tilespmem:s7], [sflag:$0x1] =	stream.indirect.gather [hbm4b:s3+s13], $0x20, s29, s13, $0xb8;
	[tilespmem:$0x1C000] =	vst v63  }
0x13a: {  	_ =	swait.ge [sflag:s15], $0x8000  }
0x13b: {  	[sflag:s15] =	ssyncset.done $0x0  }
0x13c: {  	s1 =	rddreg [dreg:$0x5];
	[sflag:s15] =	ssyncadd.s32 $0xFFFF8000  }
0x13d: {  	[hbm4b:s1+s2] =	stream.linear.scatter [tilespmem:s12], [sflag:$0x5], $0x8000, $0x38;
	[tilespmem:$0x1C000] =	vst v63  }
0x13e: {  	_ =	swait.ge [sflag:s9], $0x8000  }
0x13f: {  	[sflag:s9] =	ssyncset.done $0x0  }
0x140: {  	[sflag:s9] =	ssyncadd.s32 $0xFFFF8000  }
0x141: {  	[tilespmem:s12], [sflag:$0x2] =	stream.indirect.gather [hbm4b:s3+s13], $0x20, s28, s13, $0xb8;
	[tilespmem:$0x1C000] =	vst v63  }
0x142: {  	_ =	swait.ge [sflag:s14], $0x8000  }
0x143: {  	[sflag:s14] =	ssyncset.done $0x0  }
0x144: {  	s28 =	rddreg [dreg:$0x6];
	[sflag:s14] =	ssyncadd.s32 $0xFFFF8000  }
0x145: {  	[hbm4b:s28+s2] =	stream.linear.scatter [tilespmem:s11], [sflag:$0x6], $0x8000, $0x38;
	[tilespmem:$0x1C000] =	vst v63  }
0x146: {  	_ =	swait.ge [sflag:s10], $0x8000  }
0x147: {  	[sflag:s10] =	ssyncset.done $0x0  }
0x148: {  	[sflag:s10] =	ssyncadd.s32 $0xFFFF8000  }
0x149: {  	[tilespmem:s11], [sflag:$0x3] =	stream.indirect.gather [hbm4b:s3+s13], $0x20, s26, s13, $0xb8;
	[tilespmem:$0x1C000] =	vst v63  }
0x14a: {  	_ =	swait.ge [sflag:s8], $0x8000  }
0x14b: {  	[sflag:s8] =	ssyncset.done $0x0  }
0x14c: {  	s29 =	rddreg [dreg:$0x7];
	[sflag:s8] =	ssyncadd.s32 $0xFFFF8000  }
0x14d: {  	[hbm4b:s29+s2] =	stream.linear.scatter [tilespmem:s7], [sflag:$0x4], $0x8000, $0x38;
	[tilespmem:$0x1C000] =	vst v63  }
0x14e: {  	_ =	swait.ge [sflag:s5], $0x8000  }
0x14f: {  	[sflag:s5] =	ssyncset.done $0x0  }
0x150: {  	[sflag:s5] =	ssyncadd.s32 $0xFFFF8000  }
0x151: {  	[tilespmem:s7], [sflag:$0x1] =	stream.indirect.gather [hbm4b:s3+s13], $0x20, s25, s13, $0xb8;
	[tilespmem:$0x1C000] =	vst v63  }
0x152: {  	_ =	swait.ge [sflag:s15], $0x8000  }
0x153: {  	[sflag:s15] =	ssyncset.done $0x0  }
0x154: {  	s30 =	rddreg [dreg:$0x8];
	[sflag:s15] =	ssyncadd.s32 $0xFFFF8000  }
0x155: {  	[hbm4b:s30+s2] =	stream.linear.scatter [tilespmem:s12], [sflag:$0x5], $0x8000, $0x38;
	[tilespmem:$0x1C000] =	vst v63  }
0x156: {  	_ =	swait.ge [sflag:s9], $0x8000  }
0x157: {  	[sflag:s9] =	ssyncset.done $0x0  }
0x158: {  	[sflag:s9] =	ssyncadd.s32 $0xFFFF8000  }
0x159: {  	[tilespmem:s12], [sflag:$0x2] =	stream.indirect.gather [hbm4b:s3+s13], $0x20, s24, s13, $0xb8;
	[tilespmem:$0x1C000] =	vst v63  }
0x15a: {  	_ =	swait.ge [sflag:s14], $0x8000  }
0x15b: {  	[sflag:s14] =	ssyncset.done $0x0  }
0x15c: {  	s31 =	rddreg [dreg:$0x9];
	[sflag:s14] =	ssyncadd.s32 $0xFFFF8000  }
0x15d: {  	[hbm4b:s31+s2] =	stream.linear.scatter [tilespmem:s11], [sflag:$0x6], $0x8000, $0x38;
	[tilespmem:$0x1C000] =	vst v63  }
0x15e: {  	_ =	swait.ge [sflag:s10], $0x8000  }
0x15f: {  	[sflag:s10] =	ssyncset.done $0x0  }
0x160: {  	[sflag:s10] =	ssyncadd.s32 $0xFFFF8000  }
0x161: {  	[tilespmem:s11], [sflag:$0x3] =	stream.indirect.gather [hbm4b:s3+s13], $0x20, s23, s13, $0xb8;
	[tilespmem:$0x1C000] =	vst v63  }
0x162: {  	_ =	swait.ge [sflag:s8], $0x8000  }
0x163: {  	[sflag:s8] =	ssyncset.done $0x0  }
0x164: {  	s1 =	rddreg [dreg:$0xa];
	[sflag:s8] =	ssyncadd.s32 $0xFFFF8000  }
0x165: {  	[hbm4b:s1+s2] =	stream.linear.scatter [tilespmem:s7], [sflag:$0x4], $0x8000, $0x38;
	[tilespmem:$0x1C000] =	vst v63  }
0x166: {  	_ =	swait.ge [sflag:s5], $0x8000  }
0x167: {  	[sflag:s5] =	ssyncset.done $0x0  }
0x168: {  	[sflag:s5] =	ssyncadd.s32 $0xFFFF8000  }
0x169: {  	[tilespmem:s7], [sflag:$0x1] =	stream.indirect.gather [hbm4b:s3+s13], $0x20, s22, s13, $0xb8;
	[tilespmem:$0x1C000] =	vst v63  }
0x16a: {  	_ =	swait.ge [sflag:s15], $0x8000  }
0x16b: {  	[sflag:s15] =	ssyncset.done $0x0  }
0x16c: {  	s23 =	rddreg [dreg:$0xb];
	[sflag:s15] =	ssyncadd.s32 $0xFFFF8000  }
0x16d: {  	[hbm4b:s23+s2] =	stream.linear.scatter [tilespmem:s12], [sflag:$0x5], $0x8000, $0x38;
	[tilespmem:$0x1C000] =	vst v63  }
0x16e: {  	_ =	swait.ge [sflag:s9], $0x8000  }
0x16f: {  	[sflag:s9] =	ssyncset.done $0x0  }
0x170: {  	[sflag:s9] =	ssyncadd.s32 $0xFFFF8000  }
0x171: {  	[tilespmem:s12], [sflag:$0x2] =	stream.indirect.gather [hbm4b:s3+s13], $0x20, s21, s13, $0xb8;
	[tilespmem:$0x1C000] =	vst v63  }
0x172: {  	_ =	swait.ge [sflag:s14], $0x8000  }
0x173: {  	[sflag:s14] =	ssyncset.done $0x0  }
0x174: {  	s24 =	rddreg [dreg:$0xc];
	[sflag:s14] =	ssyncadd.s32 $0xFFFF8000  }
0x175: {  	[hbm4b:s24+s2] =	stream.linear.scatter [tilespmem:s11], [sflag:$0x6], $0x8000, $0x38;
	[tilespmem:$0x1C000] =	vst v63  }
0x176: {  	_ =	swait.ge [sflag:s10], $0x8000  }
0x177: {  	[sflag:s10] =	ssyncset.done $0x0  }
0x178: {  	[sflag:s10] =	ssyncadd.s32 $0xFFFF8000  }
0x179: {  	[tilespmem:s11], [sflag:$0x3] =	stream.indirect.gather [hbm4b:s3+s13], $0x20, s20, s13, $0xb8;
	[tilespmem:$0x1C000] =	vst v63  }
0x17a: {  	_ =	swait.ge [sflag:s8], $0x8000  }
0x17b: {  	[sflag:s8] =	ssyncset.done $0x0  }
0x17c: {  	s25 =	rddreg [dreg:$0xd];
	[sflag:s8] =	ssyncadd.s32 $0xFFFF8000  }
0x17d: {  	[hbm4b:s25+s2] =	stream.linear.scatter [tilespmem:s7], [sflag:$0x4], $0x8000, $0x38;
	[tilespmem:$0x1C000] =	vst v63  }
0x17e: {  	_ =	swait.ge [sflag:s5], $0x8000  }
0x17f: {  	[sflag:s5] =	ssyncset.done $0x0  }
0x180: {  	[sflag:s5] =	ssyncadd.s32 $0xFFFF8000  }
0x181: {  	[tilespmem:s7], [sflag:$0x1] =	stream.indirect.gather [hbm4b:s3+s13], $0x20, s19, s13, $0xb8;
	[tilespmem:$0x1C000] =	vst v63  }
0x182: {  	_ =	swait.ge [sflag:s15], $0x8000  }
0x183: {  	[sflag:s15] =	ssyncset.done $0x0  }
0x184: {  	s26 =	rddreg [dreg:$0xe];
	[sflag:s15] =	ssyncadd.s32 $0xFFFF8000  }
0x185: {  	[hbm4b:s26+s2] =	stream.linear.scatter [tilespmem:s12], [sflag:$0x5], $0x8000, $0x38;
	[tilespmem:$0x1C000] =	vst v63  }
0x186: {  	_ =	swait.ge [sflag:s9], $0x8000  }
0x187: {  	[sflag:s9] =	ssyncset.done $0x0  }
0x188: {  	[sflag:s9] =	ssyncadd.s32 $0xFFFF8000  }
0x189: {  	[tilespmem:s12], [sflag:$0x2] =	stream.indirect.gather [hbm4b:s3+s13], $0x20, s18, s13, $0xb8;
	[tilespmem:$0x1C000] =	vst v63  }
0x18a: {  	_ =	swait.ge [sflag:s14], $0x8000  }
0x18b: {  	[sflag:s14] =	ssyncset.done $0x0  }
0x18c: {  	s28 =	rddreg [dreg:$0xf];
	[sflag:s14] =	ssyncadd.s32 $0xFFFF8000  }
0x18d: {  	[hbm4b:s28+s2] =	stream.linear.scatter [tilespmem:s11], [sflag:$0x6], $0x8000, $0x38;
	[tilespmem:$0x1C000] =	vst v63  }
0x18e: {  	_ =	swait.ge [sflag:s10], $0x8000  }
0x18f: {  	[sflag:s10] =	ssyncset.done $0x0  }
0x190: {  	[sflag:s10] =	ssyncadd.s32 $0xFFFF8000  }
0x191: {  	[tilespmem:s11], [sflag:$0x3] =	stream.indirect.gather [hbm4b:s3+s13], $0x20, s17, s13, $0xb8;
	[tilespmem:$0x1C000] =	vst v63  }
0x192: {  	_ =	swait.ge [sflag:s8], $0x8000  }
0x193: {  	[sflag:s8] =	ssyncset.done $0x0  }
0x194: {  	s29 =	rddreg [dreg:$0x10];
	[sflag:s8] =	ssyncadd.s32 $0xFFFF8000  }
0x195: {  	[hbm4b:s29+s2] =	stream.linear.scatter [tilespmem:s7], [sflag:$0x4], $0x8000, $0x38;
	[tilespmem:$0x1C000] =	vst v63  }
0x196: {  	_ =	swait.ge [sflag:s5], $0x8000  }
0x197: {  	[sflag:s5] =	ssyncset.done $0x0  }
0x198: {  	[sflag:s5] =	ssyncadd.s32 $0xFFFF8000  }
0x199: {  	[tilespmem:s7], [sflag:$0x1] =	stream.indirect.gather [hbm4b:s3+s13], $0x20, s16, s13, $0xb8;
	[tilespmem:$0x1C000] =	vst v63  }
0x19a: {  	_ =	swait.ge [sflag:s15], $0x8000  }
0x19b: {  	[sflag:s15] =	ssyncset.done $0x0  }
0x19c: {  	s30 =	rddreg [dreg:$0x11];
	[sflag:s15] =	ssyncadd.s32 $0xFFFF8000  }
0x19d: {  	[hbm4b:s30+s2] =	stream.linear.scatter [tilespmem:s12], [sflag:$0x5], $0x8000, $0x38;
	[tilespmem:$0x1C000] =	vst v63  }
0x19e: {  	_ =	swait.ge [sflag:s14], $0x8000  }
0x19f: {  	[sflag:s14] =	ssyncset.done $0x0  }
0x1a0: {  	[sflag:s14] =	ssyncadd.s32 $0xFFFF8000  }
0x1a1: {  	[hbm4b:s6+s2] =	stream.linear.scatter [tilespmem:s11], [sflag:$0x6], $0x8000, $0x38;
	[tilespmem:$0x1C000] =	vst v63  }
0x1a2: {  	_ =	swait.ge [sflag:s8], $0x8000  }
0x1a3: {  	[sflag:s8] =	ssyncset.done $0x0  }
0x1a4: {  	[sflag:s8] =	ssyncadd.s32 $0xFFFF8000  }
0x1a5: {  	[hbm4b:s4+s2] =	stream.linear.scatter [tilespmem:s7], [sflag:$0x4], $0x8000, $0x38;
	[tilespmem:$0x1C000] =	vst v63  }
0x1a6: {  	_ =	swait.ge [sflag:s9], $0x8000  }
0x1a7: {  	[sflag:s9] =	ssyncset.done $0x0  }
0x1a8: {  	[sflag:s9] =	ssyncadd.s32 $0xFFFF8000  }
0x1a9: {  	_ =	swait.ge [sflag:s10], $0x8000  }
0x1aa: {  	[sflag:s10] =	ssyncset.done $0x0  }
0x1ab: {  	[sflag:s10] =	ssyncadd.s32 $0xFFFF8000  }
0x1ac: {  	_ =	swait.ge [sflag:s5], $0x8000  }
0x1ad: {  	[sflag:s5] =	ssyncset.done $0x0  }
0x1ae: {  	[sflag:s5] =	ssyncadd.s32 $0xFFFF8000  }
0x1af: {  	_ =	sfence.sel $0x180000  }
0x1b0: {  	[bflag:$0x0] =	sbarrier.arrive $0xFFFF  }
0x1b1: {  	_ =	strace $0x90000047  }
0x1b2: {  	s31 =	stileid.u32;
	[bflag:$0x2] =	sbarrier.arrive $0xFFFF  }
0x1b3: {  	p0 =	sne.s32 s31, $0x0;
	s0 =	rddreg [dreg:$0x2]  }
0x1b4: {  	s0 =	sadd.s32 @!p0 $0x100000, s0  }
0x1b5: {  	[sflag:s0] =	ssyncadd.tile.s32 @!p0 $0x1;
	_ =	shalt  }
.Lfunc_end2:
_tile_overlayer_lowered:
.L_overlay_start_2:
0x1b6: {  	(tag) =	ssettag $0x2  }
0x1b7: {  	s0 =	rddreg [dreg:$0x0];
	s2 =	stileid.u32  }
0x1b8: {  	s1 =	rddreg [dreg:$0x1];
	p0 =	sne.s32 s2, $0x0  }
0x1b9: {  	s3 =	rddreg [dreg:$0x2];
	[bflag:$0x3] =	sbarrier.arrive $0xFFFF;
	s2 =	simm.s32 @!p0 $0x1C07  }
0x1ba: {  	[timem:s3], [sflag:s2] =	dma.local @!p0 [hbm:s0], s1  }
0x1bb: {  	s0 =	simm.s32 @!p0 $0x7  }
0x1bc: {  	_ =	swait.ge @!p0 [sflag:s0], s1  }
0x1bd: {  	s1 =	ssub.s32 @!p0 $0x0, s1;
	[sflag:s0] =	ssyncset.done @!p0 $0x0  }
0x1be: {  	[sflag:s0] =	ssyncadd.s32 @!p0 s1  }
0x1bf: {  	[bflag:$0x3] =	sbarrier.arrive $0xFFFF  }
0x1c0: {  	_ =	shalt  }

</sc_bundles>
